<compile_context>
chip_gen: v7x
topology: tpu7x:2x2x1
jax: 0.10.2.dev20260603
libtpu: 0.0.44.dev20260713+nightly
codegen_flags: <defaults>
</compile_context>

<pallas_src>
import functools

import jax
import jax.numpy as jnp
from jax import lax
from jax.experimental import pallas as pl
from jax.experimental.pallas import tpu as pltpu
from jax.experimental.pallas import tpu_sc as plsc

N_TOKENS = 32768
ENCODING_DIM = 64
NUM_CODEWORDS = 1024

N_BLOCK = 4096


def _vq_tc_body(x_ref, cw_ref, idx_ref, dist_ref):
    cw = cw_ref[...]
    c2 = jnp.sum(cw * cw, axis=1, keepdims=True)
    x = x_ref[...]
    x2 = jnp.sum(x * x, axis=1)[None, :]
    ft = lax.dot_general(cw, -2.0 * x, (((1,), (1,)), ((), ())),
                         preferred_element_type=jnp.float32)
    ft = ft + c2
    minf = jnp.min(ft, axis=0, keepdims=True)
    rowf = lax.broadcasted_iota(
        jnp.int32, (NUM_CODEWORDS, 1), 0).astype(jnp.float32)
    idxf = jnp.min(jnp.where(ft == minf, rowf, float(NUM_CODEWORDS)),
                   axis=0, keepdims=True)
    idx_ref[...] = idxf.astype(jnp.int32).reshape(N_BLOCK // 128, 128)
    dist_ref[...] = jnp.sqrt(jnp.maximum(minf + x2, 0.0)
                             ).reshape(N_BLOCK // 128, 128)


def _vq_distances(input_data, codewords):
    n = input_data.shape[0]
    nb = n // N_BLOCK
    idx3, dist3 = pl.pallas_call(
        _vq_tc_body,
        grid=(nb,),
        in_specs=[
            pl.BlockSpec((N_BLOCK, ENCODING_DIM), lambda i: (i, 0)),
            pl.BlockSpec((NUM_CODEWORDS, ENCODING_DIM), lambda i: (0, 0)),
        ],
        out_specs=[
            pl.BlockSpec((N_BLOCK // 128, 128), lambda i: (i, 0)),
            pl.BlockSpec((N_BLOCK // 128, 128), lambda i: (i, 0)),
        ],
        out_shape=[
            jax.ShapeDtypeStruct((n // 128, 128), jnp.int32),
            jax.ShapeDtypeStruct((n // 128, 128), jnp.float32),
        ],
        compiler_params=pltpu.CompilerParams(
            dimension_semantics=("parallel",)),
    )(input_data, codewords)
    return idx3.reshape(-1), dist3.reshape(-1)


GATHER_CHUNK = 128
NBUF = 8


def _make_sc_gather(b):
    info = plsc.get_sparse_core_info()
    nc, ns = info.num_cores, info.num_subcores
    nw = nc * ns
    b_per_w = b // nw
    n_chunks = b_per_w // GATHER_CHUNK
    mesh = plsc.VectorSubcoreMesh(core_axis_name="c", subcore_axis_name="s")

    @functools.partial(
        pl.kernel, mesh=mesh,
        out_type=jax.ShapeDtypeStruct((b, ENCODING_DIM), jnp.float32),
        compiler_params=pltpu.CompilerParams(use_tc_tiling_on_sc=False),
        scratch_types=[
            pltpu.VMEM((n_chunks, GATHER_CHUNK), jnp.int32),
            pltpu.VMEM((NBUF, GATHER_CHUNK, ENCODING_DIM), jnp.float32),
        ] + [pltpu.SemaphoreType.DMA] * (2 * NBUF),
    )
    def gather(table_hbm, idx_hbm, out_hbm, idx_v, rows_v, *sems):
        wid = lax.axis_index("s") * nc + lax.axis_index("c")
        base = wid * b_per_w
        gsem = sems[:NBUF]
        wsem = sems[NBUF:]
        pltpu.sync_copy(idx_hbm.at[wid], idx_v)

        def start_gather(c):
            return pltpu.async_copy(
                table_hbm.at[idx_v.at[c]], rows_v.at[c % NBUF], gsem[c % NBUF])

        def start_wb(c):
            return pltpu.async_copy(
                rows_v.at[c % NBUF],
                out_hbm.at[pl.ds(base + c * GATHER_CHUNK, GATHER_CHUNK)],
                wsem[c % NBUF])

        gathers = [None] * NBUF
        wbs = [None] * NBUF
        for c in range(min(NBUF, n_chunks)):
            gathers[c] = start_gather(c)
        for c in range(n_chunks):
            buf = c % NBUF
            nxt = c + NBUF
            gathers[buf].wait()
            wbs[buf] = start_wb(c)
            if nxt < n_chunks:
                wbs[buf].wait()
                gathers[buf] = start_gather(nxt)
        for c in range(max(0, n_chunks - NBUF), n_chunks):
            wbs[c % NBUF].wait()

    return gather, nw, n_chunks


def kernel(input_data, codewords):
    x = input_data.reshape(-1, codewords.shape[1])
    quantized_indices, quantized_distances = _vq_distances(x, codewords)
    gather, nw, n_chunks = _make_sc_gather(x.shape[0])
    idx3 = quantized_indices.reshape(nw, n_chunks, GATHER_CHUNK)
    quantized_data = gather(codewords, idx3)
    return (quantized_indices, quantized_distances, quantized_data)

# --- scband reference (transcript-rebuilt; emitter-appended) ---
"""Pipeline reference for scband-vector-quantization-layer1-d-13692355739836 (READ-ONLY COPY).

The authoritative reference and input builder live on the scoring server;
editing this copy changes nothing except your own understanding.
"""

import jax, jax.numpy as jnp
import numpy as np

NUM_CODEWORDS = 1024
ENCODING_DIM = 64
N_TOKENS = 32768

def setup_inputs(seed: int = 0) -> dict:
    key = jax.random.key(seed)
    k1, k2 = jax.random.split(key)
    input_data = jax.random.normal(k1, (N_TOKENS, ENCODING_DIM), dtype=jnp.float32)
    codewords = jax.random.normal(k2, (NUM_CODEWORDS, ENCODING_DIM), dtype=jnp.float32)
    return {"input_data": input_data, "codewords": codewords}

def reference(input_data, codewords):
    # input_data.view(-1, encoding_dim)
    x = input_data.reshape(-1, codewords.shape[1])
    # torch.cdist (p=2 euclidean) via ||x||^2 + ||c||^2 - 2 x c^T
    x2 = jnp.sum(x * x, axis=1, keepdims=True)            # [N, 1]
    c2 = jnp.sum(codewords * codewords, axis=1)[None, :]  # [1, K]
    d2 = x2 + c2 - 2.0 * (x @ codewords.T)                # [N, K]
    distances = jnp.sqrt(jnp.maximum(d2, 0.0))
    quantized_indices = jnp.argmin(distances, axis=1)
    quantized_distances = jnp.take_along_axis(distances, quantized_indices[:, None], axis=1)[:, 0]
    quantized_data = jnp.take(codewords, quantized_indices, axis=0)
    return (quantized_indices, quantized_distances, quantized_data)

if __name__ == "__main__":
    import jax
    _d = setup_inputs()
    print(jax.jit(kernel)(*tuple(_d.values())))

</pallas_src>

<mosaic_0001>
#map = affine_map<(d0, d1) -> (0, 0)>
#map1 = affine_map<(d0, d1) -> (0, 0, 0)>
module attributes {stable_mosaic.version = 14 : i64} {
  func.func @gather(%arg0: i32, %arg1: i32, %arg2: memref<1024x64xf32, #tpu.memory_space<hbm>>, %arg3: memref<32x8x128xi32, #tpu.memory_space<hbm>>, %arg4: memref<32768x64xf32, #tpu.memory_space<hbm>>, %arg5: memref<8x128xi32, #tpu.memory_space<vmem>>, %arg6: memref<8x128x64xf32, #tpu.memory_space<vmem>>, %arg7: memref<!tpu.dma_semaphore, #tpu.memory_space<semaphore_mem>>, %arg8: memref<!tpu.dma_semaphore, #tpu.memory_space<semaphore_mem>>, %arg9: memref<!tpu.dma_semaphore, #tpu.memory_space<semaphore_mem>>, %arg10: memref<!tpu.dma_semaphore, #tpu.memory_space<semaphore_mem>>, %arg11: memref<!tpu.dma_semaphore, #tpu.memory_space<semaphore_mem>>, %arg12: memref<!tpu.dma_semaphore, #tpu.memory_space<semaphore_mem>>, %arg13: memref<!tpu.dma_semaphore, #tpu.memory_space<semaphore_mem>>, %arg14: memref<!tpu.dma_semaphore, #tpu.memory_space<semaphore_mem>>, %arg15: memref<!tpu.dma_semaphore, #tpu.memory_space<semaphore_mem>>, %arg16: memref<!tpu.dma_semaphore, #tpu.memory_space<semaphore_mem>>, %arg17: memref<!tpu.dma_semaphore, #tpu.memory_space<semaphore_mem>>, %arg18: memref<!tpu.dma_semaphore, #tpu.memory_space<semaphore_mem>>, %arg19: memref<!tpu.dma_semaphore, #tpu.memory_space<semaphore_mem>>, %arg20: memref<!tpu.dma_semaphore, #tpu.memory_space<semaphore_mem>>, %arg21: memref<!tpu.dma_semaphore, #tpu.memory_space<semaphore_mem>>, %arg22: memref<!tpu.dma_semaphore, #tpu.memory_space<semaphore_mem>>) attributes {dimension_semantics = [#tpu.dimension_semantics<core_parallel>, #tpu.dimension_semantics<subcore_parallel>], iteration_bounds = array<i64: 2, 16>, scalar_prefetch = 0 : i64, scratch_operands = 18 : i64, tpu.core_type = #tpu.core_type<sc_vector_subcore>, window_params = [{transform_indices = #map}, {transform_indices = #map1}, {transform_indices = #map}]} {
    %mul3A = arith.constant 2 : i32
    %mul3A_0 = arith.muli %arg1, %mul3A : i32
    %add3A = arith.addi %mul3A_0, %arg0 : i32
    %mul3A_1 = arith.constant 1024 : i32
    %mul3A_2 = arith.muli %add3A, %mul3A_1 : i32
    "tpu.region"() ({
      %run_scoped3A = tpu.sem_alloc : memref<!tpu.dma_semaphore, #tpu.memory_space<semaphore_mem>>
      %dma_start3A_417 = arith.constant 0 : i32
      %dma_start3A_418 = arith.constant 0 : i32
      %dma_start3A_419 = tpu.memref_slice %arg3[%add3A, %dma_start3A_417, %dma_start3A_418] : memref<32x8x128xi32, #tpu.memory_space<hbm>> -> memref<1x8x128xi32, #tpu.memory_space<hbm>>
      %dma_start3A_420 = tpu.memref_squeeze %dma_start3A_419 : memref<1x8x128xi32, #tpu.memory_space<hbm>> -> memref<8x128xi32, #tpu.memory_space<hbm>>
      %dma_start3A_421 = arith.constant 0 : i32
      %dma_start3A_422 = arith.constant 0 : i32
      %dma_start3A_423 = tpu.memref_slice %arg3[%add3A, %dma_start3A_421, %dma_start3A_422] : memref<32x8x128xi32, #tpu.memory_space<hbm>> -> memref<1x8x128xi32, #tpu.memory_space<hbm>>
      %dma_start3A_424 = tpu.memref_squeeze %dma_start3A_423 : memref<1x8x128xi32, #tpu.memory_space<hbm>> -> memref<8x128xi32, #tpu.memory_space<hbm>>
      tpu.enqueue_dma source(%dma_start3A_424 : memref<8x128xi32, #tpu.memory_space<hbm>>) target(%arg5 : memref<8x128xi32, #tpu.memory_space<vmem>>) target_semaphore(%run_scoped3A : memref<!tpu.dma_semaphore, #tpu.memory_space<semaphore_mem>>)
      %dma_wait3A_425 = arith.constant 0 : i32
      %dma_wait3A_426 = arith.constant 0 : i32
      %dma_wait3A_427 = tpu.memref_slice %arg3[%add3A, %dma_wait3A_425, %dma_wait3A_426] : memref<32x8x128xi32, #tpu.memory_space<hbm>> -> memref<1x8x128xi32, #tpu.memory_space<hbm>>
      %dma_wait3A_428 = tpu.memref_squeeze %dma_wait3A_427 : memref<1x8x128xi32, #tpu.memory_space<hbm>> -> memref<8x128xi32, #tpu.memory_space<hbm>>
      %dma_wait3A_429 = arith.constant 0 : i32
      %dma_wait3A_430 = arith.constant 0 : i32
      %dma_wait3A_431 = tpu.memref_slice %arg3[%add3A, %dma_wait3A_429, %dma_wait3A_430] : memref<32x8x128xi32, #tpu.memory_space<hbm>> -> memref<1x8x128xi32, #tpu.memory_space<hbm>>
      %dma_wait3A_432 = tpu.memref_squeeze %dma_wait3A_431 : memref<1x8x128xi32, #tpu.memory_space<hbm>> -> memref<8x128xi32, #tpu.memory_space<hbm>>
      tpu.wait_dma2 semaphore(%run_scoped3A : memref<!tpu.dma_semaphore, #tpu.memory_space<semaphore_mem>>) src(%dma_wait3A_432 : memref<8x128xi32, #tpu.memory_space<hbm>>) dst(%arg5 : memref<8x128xi32, #tpu.memory_space<vmem>>)
      tpu.yield
    }) : () -> ()
    %dma_start3A = arith.constant 0 : i32
    %dma_start3A_3 = arith.constant 0 : i32
    %dma_start3A_4 = arith.constant 0 : i32
    %dma_start3A_5 = arith.constant 0 : i32
    %dma_start3A_6 = tpu.memref_slice %arg6[%dma_start3A_3, %dma_start3A_4, %dma_start3A_5] : memref<8x128x64xf32, #tpu.memory_space<vmem>> -> memref<1x128x64xf32, #tpu.memory_space<vmem>>
    %dma_start3A_7 = tpu.memref_squeeze %dma_start3A_6 : memref<1x128x64xf32, #tpu.memory_space<vmem>> -> memref<128x64xf32, #tpu.memory_space<vmem>>
    %dma_start3A_8 = arith.constant 0 : i32
    %dma_start3A_9 = tpu.memref_slice %arg5[%dma_start3A, %dma_start3A_8] : memref<8x128xi32, #tpu.memory_space<vmem>> -> memref<1x128xi32, #tpu.memory_space<vmem>>
    %dma_start3A_10 = tpu.memref_squeeze %dma_start3A_9 : memref<1x128xi32, #tpu.memory_space<vmem>> -> memref<128xi32, #tpu.memory_space<vmem>>
    %dma_start3A_11 = arith.constant 0 : i32
    %dma_start3A_12 = arith.constant 0 : i32
    %dma_start3A_13 = tpu.memref_slice %arg2[%dma_start3A_11, %dma_start3A_12] : memref<1024x64xf32, #tpu.memory_space<hbm>> -> memref<1024x64xf32, #tpu.memory_space<hbm>>
    tpu.enqueue_indirect_dma source(%dma_start3A_13 : memref<1024x64xf32, #tpu.memory_space<hbm>>) target(%dma_start3A_7 : memref<128x64xf32, #tpu.memory_space<vmem>>) offsets(%dma_start3A_10 : memref<128xi32, #tpu.memory_space<vmem>>) semaphore(%arg7 : memref<!tpu.dma_semaphore, #tpu.memory_space<semaphore_mem>>)
    %dma_start3A_14 = arith.constant 1 : i32
    %dma_start3A_15 = arith.constant 1 : i32
    %dma_start3A_16 = arith.constant 0 : i32
    %dma_start3A_17 = arith.constant 0 : i32
    %dma_start3A_18 = tpu.memref_slice %arg6[%dma_start3A_15, %dma_start3A_16, %dma_start3A_17] : memref<8x128x64xf32, #tpu.memory_space<vmem>> -> memref<1x128x64xf32, #tpu.memory_space<vmem>>
    %dma_start3A_19 = tpu.memref_squeeze %dma_start3A_18 : memref<1x128x64xf32, #tpu.memory_space<vmem>> -> memref<128x64xf32, #tpu.memory_space<vmem>>
    %dma_start3A_20 = arith.constant 0 : i32
    %dma_start3A_21 = tpu.memref_slice %arg5[%dma_start3A_14, %dma_start3A_20] : memref<8x128xi32, #tpu.memory_space<vmem>> -> memref<1x128xi32, #tpu.memory_space<vmem>>
    %dma_start3A_22 = tpu.memref_squeeze %dma_start3A_21 : memref<1x128xi32, #tpu.memory_space<vmem>> -> memref<128xi32, #tpu.memory_space<vmem>>
    %dma_start3A_23 = arith.constant 0 : i32
    %dma_start3A_24 = arith.constant 0 : i32
    %dma_start3A_25 = tpu.memref_slice %arg2[%dma_start3A_23, %dma_start3A_24] : memref<1024x64xf32, #tpu.memory_space<hbm>> -> memref<1024x64xf32, #tpu.memory_space<hbm>>
    tpu.enqueue_indirect_dma source(%dma_start3A_25 : memref<1024x64xf32, #tpu.memory_space<hbm>>) target(%dma_start3A_19 : memref<128x64xf32, #tpu.memory_space<vmem>>) offsets(%dma_start3A_22 : memref<128xi32, #tpu.memory_space<vmem>>) semaphore(%arg8 : memref<!tpu.dma_semaphore, #tpu.memory_space<semaphore_mem>>)
    %dma_start3A_26 = arith.constant 2 : i32
    %dma_start3A_27 = arith.constant 2 : i32
    %dma_start3A_28 = arith.constant 0 : i32
    %dma_start3A_29 = arith.constant 0 : i32
    %dma_start3A_30 = tpu.memref_slice %arg6[%dma_start3A_27, %dma_start3A_28, %dma_start3A_29] : memref<8x128x64xf32, #tpu.memory_space<vmem>> -> memref<1x128x64xf32, #tpu.memory_space<vmem>>
    %dma_start3A_31 = tpu.memref_squeeze %dma_start3A_30 : memref<1x128x64xf32, #tpu.memory_space<vmem>> -> memref<128x64xf32, #tpu.memory_space<vmem>>
    %dma_start3A_32 = arith.constant 0 : i32
    %dma_start3A_33 = tpu.memref_slice %arg5[%dma_start3A_26, %dma_start3A_32] : memref<8x128xi32, #tpu.memory_space<vmem>> -> memref<1x128xi32, #tpu.memory_space<vmem>>
    %dma_start3A_34 = tpu.memref_squeeze %dma_start3A_33 : memref<1x128xi32, #tpu.memory_space<vmem>> -> memref<128xi32, #tpu.memory_space<vmem>>
    %dma_start3A_35 = arith.constant 0 : i32
    %dma_start3A_36 = arith.constant 0 : i32
    %dma_start3A_37 = tpu.memref_slice %arg2[%dma_start3A_35, %dma_start3A_36] : memref<1024x64xf32, #tpu.memory_space<hbm>> -> memref<1024x64xf32, #tpu.memory_space<hbm>>
    tpu.enqueue_indirect_dma source(%dma_start3A_37 : memref<1024x64xf32, #tpu.memory_space<hbm>>) target(%dma_start3A_31 : memref<128x64xf32, #tpu.memory_space<vmem>>) offsets(%dma_start3A_34 : memref<128xi32, #tpu.memory_space<vmem>>) semaphore(%arg9 : memref<!tpu.dma_semaphore, #tpu.memory_space<semaphore_mem>>)
    %dma_start3A_38 = arith.constant 3 : i32
    %dma_start3A_39 = arith.constant 3 : i32
    %dma_start3A_40 = arith.constant 0 : i32
    %dma_start3A_41 = arith.constant 0 : i32
    %dma_start3A_42 = tpu.memref_slice %arg6[%dma_start3A_39, %dma_start3A_40, %dma_start3A_41] : memref<8x128x64xf32, #tpu.memory_space<vmem>> -> memref<1x128x64xf32, #tpu.memory_space<vmem>>
    %dma_start3A_43 = tpu.memref_squeeze %dma_start3A_42 : memref<1x128x64xf32, #tpu.memory_space<vmem>> -> memref<128x64xf32, #tpu.memory_space<vmem>>
    %dma_start3A_44 = arith.constant 0 : i32
    %dma_start3A_45 = tpu.memref_slice %arg5[%dma_start3A_38, %dma_start3A_44] : memref<8x128xi32, #tpu.memory_space<vmem>> -> memref<1x128xi32, #tpu.memory_space<vmem>>
    %dma_start3A_46 = tpu.memref_squeeze %dma_start3A_45 : memref<1x128xi32, #tpu.memory_space<vmem>> -> memref<128xi32, #tpu.memory_space<vmem>>
    %dma_start3A_47 = arith.constant 0 : i32
    %dma_start3A_48 = arith.constant 0 : i32
    %dma_start3A_49 = tpu.memref_slice %arg2[%dma_start3A_47, %dma_start3A_48] : memref<1024x64xf32, #tpu.memory_space<hbm>> -> memref<1024x64xf32, #tpu.memory_space<hbm>>
    tpu.enqueue_indirect_dma source(%dma_start3A_49 : memref<1024x64xf32, #tpu.memory_space<hbm>>) target(%dma_start3A_43 : memref<128x64xf32, #tpu.memory_space<vmem>>) offsets(%dma_start3A_46 : memref<128xi32, #tpu.memory_space<vmem>>) semaphore(%arg10 : memref<!tpu.dma_semaphore, #tpu.memory_space<semaphore_mem>>)
    %dma_start3A_50 = arith.constant 4 : i32
    %dma_start3A_51 = arith.constant 4 : i32
    %dma_start3A_52 = arith.constant 0 : i32
    %dma_start3A_53 = arith.constant 0 : i32
    %dma_start3A_54 = tpu.memref_slice %arg6[%dma_start3A_51, %dma_start3A_52, %dma_start3A_53] : memref<8x128x64xf32, #tpu.memory_space<vmem>> -> memref<1x128x64xf32, #tpu.memory_space<vmem>>
    %dma_start3A_55 = tpu.memref_squeeze %dma_start3A_54 : memref<1x128x64xf32, #tpu.memory_space<vmem>> -> memref<128x64xf32, #tpu.memory_space<vmem>>
    %dma_start3A_56 = arith.constant 0 : i32
    %dma_start3A_57 = tpu.memref_slice %arg5[%dma_start3A_50, %dma_start3A_56] : memref<8x128xi32, #tpu.memory_space<vmem>> -> memref<1x128xi32, #tpu.memory_space<vmem>>
    %dma_start3A_58 = tpu.memref_squeeze %dma_start3A_57 : memref<1x128xi32, #tpu.memory_space<vmem>> -> memref<128xi32, #tpu.memory_space<vmem>>
    %dma_start3A_59 = arith.constant 0 : i32
    %dma_start3A_60 = arith.constant 0 : i32
    %dma_start3A_61 = tpu.memref_slice %arg2[%dma_start3A_59, %dma_start3A_60] : memref<1024x64xf32, #tpu.memory_space<hbm>> -> memref<1024x64xf32, #tpu.memory_space<hbm>>
    tpu.enqueue_indirect_dma source(%dma_start3A_61 : memref<1024x64xf32, #tpu.memory_space<hbm>>) target(%dma_start3A_55 : memref<128x64xf32, #tpu.memory_space<vmem>>) offsets(%dma_start3A_58 : memref<128xi32, #tpu.memory_space<vmem>>) semaphore(%arg11 : memref<!tpu.dma_semaphore, #tpu.memory_space<semaphore_mem>>)
    %dma_start3A_62 = arith.constant 5 : i32
    %dma_start3A_63 = arith.constant 5 : i32
    %dma_start3A_64 = arith.constant 0 : i32
    %dma_start3A_65 = arith.constant 0 : i32
    %dma_start3A_66 = tpu.memref_slice %arg6[%dma_start3A_63, %dma_start3A_64, %dma_start3A_65] : memref<8x128x64xf32, #tpu.memory_space<vmem>> -> memref<1x128x64xf32, #tpu.memory_space<vmem>>
    %dma_start3A_67 = tpu.memref_squeeze %dma_start3A_66 : memref<1x128x64xf32, #tpu.memory_space<vmem>> -> memref<128x64xf32, #tpu.memory_space<vmem>>
    %dma_start3A_68 = arith.constant 0 : i32
    %dma_start3A_69 = tpu.memref_slice %arg5[%dma_start3A_62, %dma_start3A_68] : memref<8x128xi32, #tpu.memory_space<vmem>> -> memref<1x128xi32, #tpu.memory_space<vmem>>
    %dma_start3A_70 = tpu.memref_squeeze %dma_start3A_69 : memref<1x128xi32, #tpu.memory_space<vmem>> -> memref<128xi32, #tpu.memory_space<vmem>>
    %dma_start3A_71 = arith.constant 0 : i32
    %dma_start3A_72 = arith.constant 0 : i32
    %dma_start3A_73 = tpu.memref_slice %arg2[%dma_start3A_71, %dma_start3A_72] : memref<1024x64xf32, #tpu.memory_space<hbm>> -> memref<1024x64xf32, #tpu.memory_space<hbm>>
    tpu.enqueue_indirect_dma source(%dma_start3A_73 : memref<1024x64xf32, #tpu.memory_space<hbm>>) target(%dma_start3A_67 : memref<128x64xf32, #tpu.memory_space<vmem>>) offsets(%dma_start3A_70 : memref<128xi32, #tpu.memory_space<vmem>>) semaphore(%arg12 : memref<!tpu.dma_semaphore, #tpu.memory_space<semaphore_mem>>)
    %dma_start3A_74 = arith.constant 6 : i32
    %dma_start3A_75 = arith.constant 6 : i32
    %dma_start3A_76 = arith.constant 0 : i32
    %dma_start3A_77 = arith.constant 0 : i32
    %dma_start3A_78 = tpu.memref_slice %arg6[%dma_start3A_75, %dma_start3A_76, %dma_start3A_77] : memref<8x128x64xf32, #tpu.memory_space<vmem>> -> memref<1x128x64xf32, #tpu.memory_space<vmem>>
    %dma_start3A_79 = tpu.memref_squeeze %dma_start3A_78 : memref<1x128x64xf32, #tpu.memory_space<vmem>> -> memref<128x64xf32, #tpu.memory_space<vmem>>
    %dma_start3A_80 = arith.constant 0 : i32
    %dma_start3A_81 = tpu.memref_slice %arg5[%dma_start3A_74, %dma_start3A_80] : memref<8x128xi32, #tpu.memory_space<vmem>> -> memref<1x128xi32, #tpu.memory_space<vmem>>
    %dma_start3A_82 = tpu.memref_squeeze %dma_start3A_81 : memref<1x128xi32, #tpu.memory_space<vmem>> -> memref<128xi32, #tpu.memory_space<vmem>>
    %dma_start3A_83 = arith.constant 0 : i32
    %dma_start3A_84 = arith.constant 0 : i32
    %dma_start3A_85 = tpu.memref_slice %arg2[%dma_start3A_83, %dma_start3A_84] : memref<1024x64xf32, #tpu.memory_space<hbm>> -> memref<1024x64xf32, #tpu.memory_space<hbm>>
    tpu.enqueue_indirect_dma source(%dma_start3A_85 : memref<1024x64xf32, #tpu.memory_space<hbm>>) target(%dma_start3A_79 : memref<128x64xf32, #tpu.memory_space<vmem>>) offsets(%dma_start3A_82 : memref<128xi32, #tpu.memory_space<vmem>>) semaphore(%arg13 : memref<!tpu.dma_semaphore, #tpu.memory_space<semaphore_mem>>)
    %dma_start3A_86 = arith.constant 7 : i32
    %dma_start3A_87 = arith.constant 7 : i32
    %dma_start3A_88 = arith.constant 0 : i32
    %dma_start3A_89 = arith.constant 0 : i32
    %dma_start3A_90 = tpu.memref_slice %arg6[%dma_start3A_87, %dma_start3A_88, %dma_start3A_89] : memref<8x128x64xf32, #tpu.memory_space<vmem>> -> memref<1x128x64xf32, #tpu.memory_space<vmem>>
    %dma_start3A_91 = tpu.memref_squeeze %dma_start3A_90 : memref<1x128x64xf32, #tpu.memory_space<vmem>> -> memref<128x64xf32, #tpu.memory_space<vmem>>
    %dma_start3A_92 = arith.constant 0 : i32
    %dma_start3A_93 = tpu.memref_slice %arg5[%dma_start3A_86, %dma_start3A_92] : memref<8x128xi32, #tpu.memory_space<vmem>> -> memref<1x128xi32, #tpu.memory_space<vmem>>
    %dma_start3A_94 = tpu.memref_squeeze %dma_start3A_93 : memref<1x128xi32, #tpu.memory_space<vmem>> -> memref<128xi32, #tpu.memory_space<vmem>>
    %dma_start3A_95 = arith.constant 0 : i32
    %dma_start3A_96 = arith.constant 0 : i32
    %dma_start3A_97 = tpu.memref_slice %arg2[%dma_start3A_95, %dma_start3A_96] : memref<1024x64xf32, #tpu.memory_space<hbm>> -> memref<1024x64xf32, #tpu.memory_space<hbm>>
    tpu.enqueue_indirect_dma source(%dma_start3A_97 : memref<1024x64xf32, #tpu.memory_space<hbm>>) target(%dma_start3A_91 : memref<128x64xf32, #tpu.memory_space<vmem>>) offsets(%dma_start3A_94 : memref<128xi32, #tpu.memory_space<vmem>>) semaphore(%arg14 : memref<!tpu.dma_semaphore, #tpu.memory_space<semaphore_mem>>)
    %dma_wait3A = arith.constant 0 : i32
    %dma_wait3A_98 = arith.constant 0 : i32
    %dma_wait3A_99 = arith.constant 0 : i32
    %dma_wait3A_100 = arith.constant 0 : i32
    %dma_wait3A_101 = tpu.memref_slice %arg6[%dma_wait3A_98, %dma_wait3A_99, %dma_wait3A_100] : memref<8x128x64xf32, #tpu.memory_space<vmem>> -> memref<1x128x64xf32, #tpu.memory_space<vmem>>
    %dma_wait3A_102 = tpu.memref_squeeze %dma_wait3A_101 : memref<1x128x64xf32, #tpu.memory_space<vmem>> -> memref<128x64xf32, #tpu.memory_space<vmem>>
    %dma_wait3A_103 = arith.constant 0 : i32
    %dma_wait3A_104 = tpu.memref_slice %arg5[%dma_wait3A, %dma_wait3A_103] : memref<8x128xi32, #tpu.memory_space<vmem>> -> memref<1x128xi32, #tpu.memory_space<vmem>>
    %dma_wait3A_105 = tpu.memref_squeeze %dma_wait3A_104 : memref<1x128xi32, #tpu.memory_space<vmem>> -> memref<128xi32, #tpu.memory_space<vmem>>
    %dma_wait3A_106 = arith.constant 0 : i32
    %dma_wait3A_107 = arith.constant 0 : i32
    %dma_wait3A_108 = tpu.memref_slice %arg2[%dma_wait3A_106, %dma_wait3A_107] : memref<1024x64xf32, #tpu.memory_space<hbm>> -> memref<1024x64xf32, #tpu.memory_space<hbm>>
    tpu.wait_indirect_dma semaphore(%arg7 : memref<!tpu.dma_semaphore, #tpu.memory_space<semaphore_mem>>) src(%dma_wait3A_108 : memref<1024x64xf32, #tpu.memory_space<hbm>>) dst(%dma_wait3A_102 : memref<128x64xf32, #tpu.memory_space<vmem>>)
    %add3A_109 = arith.constant 0 : i32
    %add3A_110 = arith.addi %mul3A_2, %add3A_109 : i32
    %dma_start3A_111 = arith.constant 0 : i32
    %dma_start3A_112 = arith.constant 0 : i32
    %dma_start3A_113 = arith.constant 0 : i32
    %dma_start3A_114 = tpu.memref_slice %arg6[%dma_start3A_111, %dma_start3A_112, %dma_start3A_113] : memref<8x128x64xf32, #tpu.memory_space<vmem>> -> memref<1x128x64xf32, #tpu.memory_space<vmem>>
    %dma_start3A_115 = tpu.memref_squeeze %dma_start3A_114 : memref<1x128x64xf32, #tpu.memory_space<vmem>> -> memref<128x64xf32, #tpu.memory_space<vmem>>
    %dma_start3A_116 = arith.constant 0 : i32
    %dma_start3A_117 = tpu.memref_slice %arg4[%add3A_110, %dma_start3A_116] : memref<32768x64xf32, #tpu.memory_space<hbm>> -> memref<128x64xf32, #tpu.memory_space<hbm>>
    %dma_start3A_118 = arith.constant 0 : i32
    %dma_start3A_119 = tpu.memref_slice %arg4[%add3A_110, %dma_start3A_118] : memref<32768x64xf32, #tpu.memory_space<hbm>> -> memref<128x64xf32, #tpu.memory_space<hbm>>
    %dma_start3A_120 = arith.constant 0 : i32
    %dma_start3A_121 = arith.constant 0 : i32
    %dma_start3A_122 = tpu.memref_slice %arg6[%dma_start3A_111, %dma_start3A_120, %dma_start3A_121] : memref<8x128x64xf32, #tpu.memory_space<vmem>> -> memref<1x128x64xf32, #tpu.memory_space<vmem>>
    %dma_start3A_123 = tpu.memref_squeeze %dma_start3A_122 : memref<1x128x64xf32, #tpu.memory_space<vmem>> -> memref<128x64xf32, #tpu.memory_space<vmem>>
    tpu.enqueue_dma source(%dma_start3A_123 : memref<128x64xf32, #tpu.memory_space<vmem>>) target(%dma_start3A_119 : memref<128x64xf32, #tpu.memory_space<hbm>>) target_semaphore(%arg15 : memref<!tpu.dma_semaphore, #tpu.memory_space<semaphore_mem>>)
    %dma_wait3A_124 = arith.constant 1 : i32
    %dma_wait3A_125 = arith.constant 1 : i32
    %dma_wait3A_126 = arith.constant 0 : i32
    %dma_wait3A_127 = arith.constant 0 : i32
    %dma_wait3A_128 = tpu.memref_slice %arg6[%dma_wait3A_125, %dma_wait3A_126, %dma_wait3A_127] : memref<8x128x64xf32, #tpu.memory_space<vmem>> -> memref<1x128x64xf32, #tpu.memory_space<vmem>>
    %dma_wait3A_129 = tpu.memref_squeeze %dma_wait3A_128 : memref<1x128x64xf32, #tpu.memory_space<vmem>> -> memref<128x64xf32, #tpu.memory_space<vmem>>
    %dma_wait3A_130 = arith.constant 0 : i32
    %dma_wait3A_131 = tpu.memref_slice %arg5[%dma_wait3A_124, %dma_wait3A_130] : memref<8x128xi32, #tpu.memory_space<vmem>> -> memref<1x128xi32, #tpu.memory_space<vmem>>
    %dma_wait3A_132 = tpu.memref_squeeze %dma_wait3A_131 : memref<1x128xi32, #tpu.memory_space<vmem>> -> memref<128xi32, #tpu.memory_space<vmem>>
    %dma_wait3A_133 = arith.constant 0 : i32
    %dma_wait3A_134 = arith.constant 0 : i32
    %dma_wait3A_135 = tpu.memref_slice %arg2[%dma_wait3A_133, %dma_wait3A_134] : memref<1024x64xf32, #tpu.memory_space<hbm>> -> memref<1024x64xf32, #tpu.memory_space<hbm>>
    tpu.wait_indirect_dma semaphore(%arg8 : memref<!tpu.dma_semaphore, #tpu.memory_space<semaphore_mem>>) src(%dma_wait3A_135 : memref<1024x64xf32, #tpu.memory_space<hbm>>) dst(%dma_wait3A_129 : memref<128x64xf32, #tpu.memory_space<vmem>>)
    %add3A_136 = arith.constant 128 : i32
    %add3A_137 = arith.addi %mul3A_2, %add3A_136 : i32
    %dma_start3A_138 = arith.constant 1 : i32
    %dma_start3A_139 = arith.constant 0 : i32
    %dma_start3A_140 = arith.constant 0 : i32
    %dma_start3A_141 = tpu.memref_slice %arg6[%dma_start3A_138, %dma_start3A_139, %dma_start3A_140] : memref<8x128x64xf32, #tpu.memory_space<vmem>> -> memref<1x128x64xf32, #tpu.memory_space<vmem>>
    %dma_start3A_142 = tpu.memref_squeeze %dma_start3A_141 : memref<1x128x64xf32, #tpu.memory_space<vmem>> -> memref<128x64xf32, #tpu.memory_space<vmem>>
    %dma_start3A_143 = arith.constant 0 : i32
    %dma_start3A_144 = tpu.memref_slice %arg4[%add3A_137, %dma_start3A_143] : memref<32768x64xf32, #tpu.memory_space<hbm>> -> memref<128x64xf32, #tpu.memory_space<hbm>>
    %dma_start3A_145 = arith.constant 0 : i32
    %dma_start3A_146 = tpu.memref_slice %arg4[%add3A_137, %dma_start3A_145] : memref<32768x64xf32, #tpu.memory_space<hbm>> -> memref<128x64xf32, #tpu.memory_space<hbm>>
    %dma_start3A_147 = arith.constant 0 : i32
    %dma_start3A_148 = arith.constant 0 : i32
    %dma_start3A_149 = tpu.memref_slice %arg6[%dma_start3A_138, %dma_start3A_147, %dma_start3A_148] : memref<8x128x64xf32, #tpu.memory_space<vmem>> -> memref<1x128x64xf32, #tpu.memory_space<vmem>>
    %dma_start3A_150 = tpu.memref_squeeze %dma_start3A_149 : memref<1x128x64xf32, #tpu.memory_space<vmem>> -> memref<128x64xf32, #tpu.memory_space<vmem>>
    tpu.enqueue_dma source(%dma_start3A_150 : memref<128x64xf32, #tpu.memory_space<vmem>>) target(%dma_start3A_146 : memref<128x64xf32, #tpu.memory_space<hbm>>) target_semaphore(%arg16 : memref<!tpu.dma_semaphore, #tpu.memory_space<semaphore_mem>>)
    %dma_wait3A_151 = arith.constant 2 : i32
    %dma_wait3A_152 = arith.constant 2 : i32
    %dma_wait3A_153 = arith.constant 0 : i32
    %dma_wait3A_154 = arith.constant 0 : i32
    %dma_wait3A_155 = tpu.memref_slice %arg6[%dma_wait3A_152, %dma_wait3A_153, %dma_wait3A_154] : memref<8x128x64xf32, #tpu.memory_space<vmem>> -> memref<1x128x64xf32, #tpu.memory_space<vmem>>
    %dma_wait3A_156 = tpu.memref_squeeze %dma_wait3A_155 : memref<1x128x64xf32, #tpu.memory_space<vmem>> -> memref<128x64xf32, #tpu.memory_space<vmem>>
    %dma_wait3A_157 = arith.constant 0 : i32
    %dma_wait3A_158 = tpu.memref_slice %arg5[%dma_wait3A_151, %dma_wait3A_157] : memref<8x128xi32, #tpu.memory_space<vmem>> -> memref<1x128xi32, #tpu.memory_space<vmem>>
    %dma_wait3A_159 = tpu.memref_squeeze %dma_wait3A_158 : memref<1x128xi32, #tpu.memory_space<vmem>> -> memref<128xi32, #tpu.memory_space<vmem>>
    %dma_wait3A_160 = arith.constant 0 : i32
    %dma_wait3A_161 = arith.constant 0 : i32
    %dma_wait3A_162 = tpu.memref_slice %arg2[%dma_wait3A_160, %dma_wait3A_161] : memref<1024x64xf32, #tpu.memory_space<hbm>> -> memref<1024x64xf32, #tpu.memory_space<hbm>>
    tpu.wait_indirect_dma semaphore(%arg9 : memref<!tpu.dma_semaphore, #tpu.memory_space<semaphore_mem>>) src(%dma_wait3A_162 : memref<1024x64xf32, #tpu.memory_space<hbm>>) dst(%dma_wait3A_156 : memref<128x64xf32, #tpu.memory_space<vmem>>)
    %add3A_163 = arith.constant 256 : i32
    %add3A_164 = arith.addi %mul3A_2, %add3A_163 : i32
    %dma_start3A_165 = arith.constant 2 : i32
    %dma_start3A_166 = arith.constant 0 : i32
    %dma_start3A_167 = arith.constant 0 : i32
    %dma_start3A_168 = tpu.memref_slice %arg6[%dma_start3A_165, %dma_start3A_166, %dma_start3A_167] : memref<8x128x64xf32, #tpu.memory_space<vmem>> -> memref<1x128x64xf32, #tpu.memory_space<vmem>>
    %dma_start3A_169 = tpu.memref_squeeze %dma_start3A_168 : memref<1x128x64xf32, #tpu.memory_space<vmem>> -> memref<128x64xf32, #tpu.memory_space<vmem>>
    %dma_start3A_170 = arith.constant 0 : i32
    %dma_start3A_171 = tpu.memref_slice %arg4[%add3A_164, %dma_start3A_170] : memref<32768x64xf32, #tpu.memory_space<hbm>> -> memref<128x64xf32, #tpu.memory_space<hbm>>
    %dma_start3A_172 = arith.constant 0 : i32
    %dma_start3A_173 = tpu.memref_slice %arg4[%add3A_164, %dma_start3A_172] : memref<32768x64xf32, #tpu.memory_space<hbm>> -> memref<128x64xf32, #tpu.memory_space<hbm>>
    %dma_start3A_174 = arith.constant 0 : i32
    %dma_start3A_175 = arith.constant 0 : i32
    %dma_start3A_176 = tpu.memref_slice %arg6[%dma_start3A_165, %dma_start3A_174, %dma_start3A_175] : memref<8x128x64xf32, #tpu.memory_space<vmem>> -> memref<1x128x64xf32, #tpu.memory_space<vmem>>
    %dma_start3A_177 = tpu.memref_squeeze %dma_start3A_176 : memref<1x128x64xf32, #tpu.memory_space<vmem>> -> memref<128x64xf32, #tpu.memory_space<vmem>>
    tpu.enqueue_dma source(%dma_start3A_177 : memref<128x64xf32, #tpu.memory_space<vmem>>) target(%dma_start3A_173 : memref<128x64xf32, #tpu.memory_space<hbm>>) target_semaphore(%arg17 : memref<!tpu.dma_semaphore, #tpu.memory_space<semaphore_mem>>)
    %dma_wait3A_178 = arith.constant 3 : i32
    %dma_wait3A_179 = arith.constant 3 : i32
    %dma_wait3A_180 = arith.constant 0 : i32
    %dma_wait3A_181 = arith.constant 0 : i32
    %dma_wait3A_182 = tpu.memref_slice %arg6[%dma_wait3A_179, %dma_wait3A_180, %dma_wait3A_181] : memref<8x128x64xf32, #tpu.memory_space<vmem>> -> memref<1x128x64xf32, #tpu.memory_space<vmem>>
    %dma_wait3A_183 = tpu.memref_squeeze %dma_wait3A_182 : memref<1x128x64xf32, #tpu.memory_space<vmem>> -> memref<128x64xf32, #tpu.memory_space<vmem>>
    %dma_wait3A_184 = arith.constant 0 : i32
    %dma_wait3A_185 = tpu.memref_slice %arg5[%dma_wait3A_178, %dma_wait3A_184] : memref<8x128xi32, #tpu.memory_space<vmem>> -> memref<1x128xi32, #tpu.memory_space<vmem>>
    %dma_wait3A_186 = tpu.memref_squeeze %dma_wait3A_185 : memref<1x128xi32, #tpu.memory_space<vmem>> -> memref<128xi32, #tpu.memory_space<vmem>>
    %dma_wait3A_187 = arith.constant 0 : i32
    %dma_wait3A_188 = arith.constant 0 : i32
    %dma_wait3A_189 = tpu.memref_slice %arg2[%dma_wait3A_187, %dma_wait3A_188] : memref<1024x64xf32, #tpu.memory_space<hbm>> -> memref<1024x64xf32, #tpu.memory_space<hbm>>
    tpu.wait_indirect_dma semaphore(%arg10 : memref<!tpu.dma_semaphore, #tpu.memory_space<semaphore_mem>>) src(%dma_wait3A_189 : memref<1024x64xf32, #tpu.memory_space<hbm>>) dst(%dma_wait3A_183 : memref<128x64xf32, #tpu.memory_space<vmem>>)
    %add3A_190 = arith.constant 384 : i32
    %add3A_191 = arith.addi %mul3A_2, %add3A_190 : i32
    %dma_start3A_192 = arith.constant 3 : i32
    %dma_start3A_193 = arith.constant 0 : i32
    %dma_start3A_194 = arith.constant 0 : i32
    %dma_start3A_195 = tpu.memref_slice %arg6[%dma_start3A_192, %dma_start3A_193, %dma_start3A_194] : memref<8x128x64xf32, #tpu.memory_space<vmem>> -> memref<1x128x64xf32, #tpu.memory_space<vmem>>
    %dma_start3A_196 = tpu.memref_squeeze %dma_start3A_195 : memref<1x128x64xf32, #tpu.memory_space<vmem>> -> memref<128x64xf32, #tpu.memory_space<vmem>>
    %dma_start3A_197 = arith.constant 0 : i32
    %dma_start3A_198 = tpu.memref_slice %arg4[%add3A_191, %dma_start3A_197] : memref<32768x64xf32, #tpu.memory_space<hbm>> -> memref<128x64xf32, #tpu.memory_space<hbm>>
    %dma_start3A_199 = arith.constant 0 : i32
    %dma_start3A_200 = tpu.memref_slice %arg4[%add3A_191, %dma_start3A_199] : memref<32768x64xf32, #tpu.memory_space<hbm>> -> memref<128x64xf32, #tpu.memory_space<hbm>>
    %dma_start3A_201 = arith.constant 0 : i32
    %dma_start3A_202 = arith.constant 0 : i32
    %dma_start3A_203 = tpu.memref_slice %arg6[%dma_start3A_192, %dma_start3A_201, %dma_start3A_202] : memref<8x128x64xf32, #tpu.memory_space<vmem>> -> memref<1x128x64xf32, #tpu.memory_space<vmem>>
    %dma_start3A_204 = tpu.memref_squeeze %dma_start3A_203 : memref<1x128x64xf32, #tpu.memory_space<vmem>> -> memref<128x64xf32, #tpu.memory_space<vmem>>
    tpu.enqueue_dma source(%dma_start3A_204 : memref<128x64xf32, #tpu.memory_space<vmem>>) target(%dma_start3A_200 : memref<128x64xf32, #tpu.memory_space<hbm>>) target_semaphore(%arg18 : memref<!tpu.dma_semaphore, #tpu.memory_space<semaphore_mem>>)
    %dma_wait3A_205 = arith.constant 4 : i32
    %dma_wait3A_206 = arith.constant 4 : i32
    %dma_wait3A_207 = arith.constant 0 : i32
    %dma_wait3A_208 = arith.constant 0 : i32
    %dma_wait3A_209 = tpu.memref_slice %arg6[%dma_wait3A_206, %dma_wait3A_207, %dma_wait3A_208] : memref<8x128x64xf32, #tpu.memory_space<vmem>> -> memref<1x128x64xf32, #tpu.memory_space<vmem>>
    %dma_wait3A_210 = tpu.memref_squeeze %dma_wait3A_209 : memref<1x128x64xf32, #tpu.memory_space<vmem>> -> memref<128x64xf32, #tpu.memory_space<vmem>>
    %dma_wait3A_211 = arith.constant 0 : i32
    %dma_wait3A_212 = tpu.memref_slice %arg5[%dma_wait3A_205, %dma_wait3A_211] : memref<8x128xi32, #tpu.memory_space<vmem>> -> memref<1x128xi32, #tpu.memory_space<vmem>>
    %dma_wait3A_213 = tpu.memref_squeeze %dma_wait3A_212 : memref<1x128xi32, #tpu.memory_space<vmem>> -> memref<128xi32, #tpu.memory_space<vmem>>
    %dma_wait3A_214 = arith.constant 0 : i32
    %dma_wait3A_215 = arith.constant 0 : i32
    %dma_wait3A_216 = tpu.memref_slice %arg2[%dma_wait3A_214, %dma_wait3A_215] : memref<1024x64xf32, #tpu.memory_space<hbm>> -> memref<1024x64xf32, #tpu.memory_space<hbm>>
    tpu.wait_indirect_dma semaphore(%arg11 : memref<!tpu.dma_semaphore, #tpu.memory_space<semaphore_mem>>) src(%dma_wait3A_216 : memref<1024x64xf32, #tpu.memory_space<hbm>>) dst(%dma_wait3A_210 : memref<128x64xf32, #tpu.memory_space<vmem>>)
    %add3A_217 = arith.constant 512 : i32
    %add3A_218 = arith.addi %mul3A_2, %add3A_217 : i32
    %dma_start3A_219 = arith.constant 4 : i32
    %dma_start3A_220 = arith.constant 0 : i32
    %dma_start3A_221 = arith.constant 0 : i32
    %dma_start3A_222 = tpu.memref_slice %arg6[%dma_start3A_219, %dma_start3A_220, %dma_start3A_221] : memref<8x128x64xf32, #tpu.memory_space<vmem>> -> memref<1x128x64xf32, #tpu.memory_space<vmem>>
    %dma_start3A_223 = tpu.memref_squeeze %dma_start3A_222 : memref<1x128x64xf32, #tpu.memory_space<vmem>> -> memref<128x64xf32, #tpu.memory_space<vmem>>
    %dma_start3A_224 = arith.constant 0 : i32
    %dma_start3A_225 = tpu.memref_slice %arg4[%add3A_218, %dma_start3A_224] : memref<32768x64xf32, #tpu.memory_space<hbm>> -> memref<128x64xf32, #tpu.memory_space<hbm>>
    %dma_start3A_226 = arith.constant 0 : i32
    %dma_start3A_227 = tpu.memref_slice %arg4[%add3A_218, %dma_start3A_226] : memref<32768x64xf32, #tpu.memory_space<hbm>> -> memref<128x64xf32, #tpu.memory_space<hbm>>
    %dma_start3A_228 = arith.constant 0 : i32
    %dma_start3A_229 = arith.constant 0 : i32
    %dma_start3A_230 = tpu.memref_slice %arg6[%dma_start3A_219, %dma_start3A_228, %dma_start3A_229] : memref<8x128x64xf32, #tpu.memory_space<vmem>> -> memref<1x128x64xf32, #tpu.memory_space<vmem>>
    %dma_start3A_231 = tpu.memref_squeeze %dma_start3A_230 : memref<1x128x64xf32, #tpu.memory_space<vmem>> -> memref<128x64xf32, #tpu.memory_space<vmem>>
    tpu.enqueue_dma source(%dma_start3A_231 : memref<128x64xf32, #tpu.memory_space<vmem>>) target(%dma_start3A_227 : memref<128x64xf32, #tpu.memory_space<hbm>>) target_semaphore(%arg19 : memref<!tpu.dma_semaphore, #tpu.memory_space<semaphore_mem>>)
    %dma_wait3A_232 = arith.constant 5 : i32
    %dma_wait3A_233 = arith.constant 5 : i32
    %dma_wait3A_234 = arith.constant 0 : i32
    %dma_wait3A_235 = arith.constant 0 : i32
    %dma_wait3A_236 = tpu.memref_slice %arg6[%dma_wait3A_233, %dma_wait3A_234, %dma_wait3A_235] : memref<8x128x64xf32, #tpu.memory_space<vmem>> -> memref<1x128x64xf32, #tpu.memory_space<vmem>>
    %dma_wait3A_237 = tpu.memref_squeeze %dma_wait3A_236 : memref<1x128x64xf32, #tpu.memory_space<vmem>> -> memref<128x64xf32, #tpu.memory_space<vmem>>
    %dma_wait3A_238 = arith.constant 0 : i32
    %dma_wait3A_239 = tpu.memref_slice %arg5[%dma_wait3A_232, %dma_wait3A_238] : memref<8x128xi32, #tpu.memory_space<vmem>> -> memref<1x128xi32, #tpu.memory_space<vmem>>
    %dma_wait3A_240 = tpu.memref_squeeze %dma_wait3A_239 : memref<1x128xi32, #tpu.memory_space<vmem>> -> memref<128xi32, #tpu.memory_space<vmem>>
    %dma_wait3A_241 = arith.constant 0 : i32
    %dma_wait3A_242 = arith.constant 0 : i32
    %dma_wait3A_243 = tpu.memref_slice %arg2[%dma_wait3A_241, %dma_wait3A_242] : memref<1024x64xf32, #tpu.memory_space<hbm>> -> memref<1024x64xf32, #tpu.memory_space<hbm>>
    tpu.wait_indirect_dma semaphore(%arg12 : memref<!tpu.dma_semaphore, #tpu.memory_space<semaphore_mem>>) src(%dma_wait3A_243 : memref<1024x64xf32, #tpu.memory_space<hbm>>) dst(%dma_wait3A_237 : memref<128x64xf32, #tpu.memory_space<vmem>>)
    %add3A_244 = arith.constant 640 : i32
    %add3A_245 = arith.addi %mul3A_2, %add3A_244 : i32
    %dma_start3A_246 = arith.constant 5 : i32
    %dma_start3A_247 = arith.constant 0 : i32
    %dma_start3A_248 = arith.constant 0 : i32
    %dma_start3A_249 = tpu.memref_slice %arg6[%dma_start3A_246, %dma_start3A_247, %dma_start3A_248] : memref<8x128x64xf32, #tpu.memory_space<vmem>> -> memref<1x128x64xf32, #tpu.memory_space<vmem>>
    %dma_start3A_250 = tpu.memref_squeeze %dma_start3A_249 : memref<1x128x64xf32, #tpu.memory_space<vmem>> -> memref<128x64xf32, #tpu.memory_space<vmem>>
    %dma_start3A_251 = arith.constant 0 : i32
    %dma_start3A_252 = tpu.memref_slice %arg4[%add3A_245, %dma_start3A_251] : memref<32768x64xf32, #tpu.memory_space<hbm>> -> memref<128x64xf32, #tpu.memory_space<hbm>>
    %dma_start3A_253 = arith.constant 0 : i32
    %dma_start3A_254 = tpu.memref_slice %arg4[%add3A_245, %dma_start3A_253] : memref<32768x64xf32, #tpu.memory_space<hbm>> -> memref<128x64xf32, #tpu.memory_space<hbm>>
    %dma_start3A_255 = arith.constant 0 : i32
    %dma_start3A_256 = arith.constant 0 : i32
    %dma_start3A_257 = tpu.memref_slice %arg6[%dma_start3A_246, %dma_start3A_255, %dma_start3A_256] : memref<8x128x64xf32, #tpu.memory_space<vmem>> -> memref<1x128x64xf32, #tpu.memory_space<vmem>>
    %dma_start3A_258 = tpu.memref_squeeze %dma_start3A_257 : memref<1x128x64xf32, #tpu.memory_space<vmem>> -> memref<128x64xf32, #tpu.memory_space<vmem>>
    tpu.enqueue_dma source(%dma_start3A_258 : memref<128x64xf32, #tpu.memory_space<vmem>>) target(%dma_start3A_254 : memref<128x64xf32, #tpu.memory_space<hbm>>) target_semaphore(%arg20 : memref<!tpu.dma_semaphore, #tpu.memory_space<semaphore_mem>>)
    %dma_wait3A_259 = arith.constant 6 : i32
    %dma_wait3A_260 = arith.constant 6 : i32
    %dma_wait3A_261 = arith.constant 0 : i32
    %dma_wait3A_262 = arith.constant 0 : i32
    %dma_wait3A_263 = tpu.memref_slice %arg6[%dma_wait3A_260, %dma_wait3A_261, %dma_wait3A_262] : memref<8x128x64xf32, #tpu.memory_space<vmem>> -> memref<1x128x64xf32, #tpu.memory_space<vmem>>
    %dma_wait3A_264 = tpu.memref_squeeze %dma_wait3A_263 : memref<1x128x64xf32, #tpu.memory_space<vmem>> -> memref<128x64xf32, #tpu.memory_space<vmem>>
    %dma_wait3A_265 = arith.constant 0 : i32
    %dma_wait3A_266 = tpu.memref_slice %arg5[%dma_wait3A_259, %dma_wait3A_265] : memref<8x128xi32, #tpu.memory_space<vmem>> -> memref<1x128xi32, #tpu.memory_space<vmem>>
    %dma_wait3A_267 = tpu.memref_squeeze %dma_wait3A_266 : memref<1x128xi32, #tpu.memory_space<vmem>> -> memref<128xi32, #tpu.memory_space<vmem>>
    %dma_wait3A_268 = arith.constant 0 : i32
    %dma_wait3A_269 = arith.constant 0 : i32
    %dma_wait3A_270 = tpu.memref_slice %arg2[%dma_wait3A_268, %dma_wait3A_269] : memref<1024x64xf32, #tpu.memory_space<hbm>> -> memref<1024x64xf32, #tpu.memory_space<hbm>>
    tpu.wait_indirect_dma semaphore(%arg13 : memref<!tpu.dma_semaphore, #tpu.memory_space<semaphore_mem>>) src(%dma_wait3A_270 : memref<1024x64xf32, #tpu.memory_space<hbm>>) dst(%dma_wait3A_264 : memref<128x64xf32, #tpu.memory_space<vmem>>)
    %add3A_271 = arith.constant 768 : i32
    %add3A_272 = arith.addi %mul3A_2, %add3A_271 : i32
    %dma_start3A_273 = arith.constant 6 : i32
    %dma_start3A_274 = arith.constant 0 : i32
    %dma_start3A_275 = arith.constant 0 : i32
    %dma_start3A_276 = tpu.memref_slice %arg6[%dma_start3A_273, %dma_start3A_274, %dma_start3A_275] : memref<8x128x64xf32, #tpu.memory_space<vmem>> -> memref<1x128x64xf32, #tpu.memory_space<vmem>>
    %dma_start3A_277 = tpu.memref_squeeze %dma_start3A_276 : memref<1x128x64xf32, #tpu.memory_space<vmem>> -> memref<128x64xf32, #tpu.memory_space<vmem>>
    %dma_start3A_278 = arith.constant 0 : i32
    %dma_start3A_279 = tpu.memref_slice %arg4[%add3A_272, %dma_start3A_278] : memref<32768x64xf32, #tpu.memory_space<hbm>> -> memref<128x64xf32, #tpu.memory_space<hbm>>
    %dma_start3A_280 = arith.constant 0 : i32
    %dma_start3A_281 = tpu.memref_slice %arg4[%add3A_272, %dma_start3A_280] : memref<32768x64xf32, #tpu.memory_space<hbm>> -> memref<128x64xf32, #tpu.memory_space<hbm>>
    %dma_start3A_282 = arith.constant 0 : i32
    %dma_start3A_283 = arith.constant 0 : i32
    %dma_start3A_284 = tpu.memref_slice %arg6[%dma_start3A_273, %dma_start3A_282, %dma_start3A_283] : memref<8x128x64xf32, #tpu.memory_space<vmem>> -> memref<1x128x64xf32, #tpu.memory_space<vmem>>
    %dma_start3A_285 = tpu.memref_squeeze %dma_start3A_284 : memref<1x128x64xf32, #tpu.memory_space<vmem>> -> memref<128x64xf32, #tpu.memory_space<vmem>>
    tpu.enqueue_dma source(%dma_start3A_285 : memref<128x64xf32, #tpu.memory_space<vmem>>) target(%dma_start3A_281 : memref<128x64xf32, #tpu.memory_space<hbm>>) target_semaphore(%arg21 : memref<!tpu.dma_semaphore, #tpu.memory_space<semaphore_mem>>)
    %dma_wait3A_286 = arith.constant 7 : i32
    %dma_wait3A_287 = arith.constant 7 : i32
    %dma_wait3A_288 = arith.constant 0 : i32
    %dma_wait3A_289 = arith.constant 0 : i32
    %dma_wait3A_290 = tpu.memref_slice %arg6[%dma_wait3A_287, %dma_wait3A_288, %dma_wait3A_289] : memref<8x128x64xf32, #tpu.memory_space<vmem>> -> memref<1x128x64xf32, #tpu.memory_space<vmem>>
    %dma_wait3A_291 = tpu.memref_squeeze %dma_wait3A_290 : memref<1x128x64xf32, #tpu.memory_space<vmem>> -> memref<128x64xf32, #tpu.memory_space<vmem>>
    %dma_wait3A_292 = arith.constant 0 : i32
    %dma_wait3A_293 = tpu.memref_slice %arg5[%dma_wait3A_286, %dma_wait3A_292] : memref<8x128xi32, #tpu.memory_space<vmem>> -> memref<1x128xi32, #tpu.memory_space<vmem>>
    %dma_wait3A_294 = tpu.memref_squeeze %dma_wait3A_293 : memref<1x128xi32, #tpu.memory_space<vmem>> -> memref<128xi32, #tpu.memory_space<vmem>>
    %dma_wait3A_295 = arith.constant 0 : i32
    %dma_wait3A_296 = arith.constant 0 : i32
    %dma_wait3A_297 = tpu.memref_slice %arg2[%dma_wait3A_295, %dma_wait3A_296] : memref<1024x64xf32, #tpu.memory_space<hbm>> -> memref<1024x64xf32, #tpu.memory_space<hbm>>
    tpu.wait_indirect_dma semaphore(%arg14 : memref<!tpu.dma_semaphore, #tpu.memory_space<semaphore_mem>>) src(%dma_wait3A_297 : memref<1024x64xf32, #tpu.memory_space<hbm>>) dst(%dma_wait3A_291 : memref<128x64xf32, #tpu.memory_space<vmem>>)
    %add3A_298 = arith.constant 896 : i32
    %add3A_299 = arith.addi %mul3A_2, %add3A_298 : i32
    %dma_start3A_300 = arith.constant 7 : i32
    %dma_start3A_301 = arith.constant 0 : i32
    %dma_start3A_302 = arith.constant 0 : i32
    %dma_start3A_303 = tpu.memref_slice %arg6[%dma_start3A_300, %dma_start3A_301, %dma_start3A_302] : memref<8x128x64xf32, #tpu.memory_space<vmem>> -> memref<1x128x64xf32, #tpu.memory_space<vmem>>
    %dma_start3A_304 = tpu.memref_squeeze %dma_start3A_303 : memref<1x128x64xf32, #tpu.memory_space<vmem>> -> memref<128x64xf32, #tpu.memory_space<vmem>>
    %dma_start3A_305 = arith.constant 0 : i32
    %dma_start3A_306 = tpu.memref_slice %arg4[%add3A_299, %dma_start3A_305] : memref<32768x64xf32, #tpu.memory_space<hbm>> -> memref<128x64xf32, #tpu.memory_space<hbm>>
    %dma_start3A_307 = arith.constant 0 : i32
    %dma_start3A_308 = tpu.memref_slice %arg4[%add3A_299, %dma_start3A_307] : memref<32768x64xf32, #tpu.memory_space<hbm>> -> memref<128x64xf32, #tpu.memory_space<hbm>>
    %dma_start3A_309 = arith.constant 0 : i32
    %dma_start3A_310 = arith.constant 0 : i32
    %dma_start3A_311 = tpu.memref_slice %arg6[%dma_start3A_300, %dma_start3A_309, %dma_start3A_310] : memref<8x128x64xf32, #tpu.memory_space<vmem>> -> memref<1x128x64xf32, #tpu.memory_space<vmem>>
    %dma_start3A_312 = tpu.memref_squeeze %dma_start3A_311 : memref<1x128x64xf32, #tpu.memory_space<vmem>> -> memref<128x64xf32, #tpu.memory_space<vmem>>
    tpu.enqueue_dma source(%dma_start3A_312 : memref<128x64xf32, #tpu.memory_space<vmem>>) target(%dma_start3A_308 : memref<128x64xf32, #tpu.memory_space<hbm>>) target_semaphore(%arg22 : memref<!tpu.dma_semaphore, #tpu.memory_space<semaphore_mem>>)
    %dma_wait3A_313 = arith.constant 0 : i32
    %dma_wait3A_314 = arith.constant 0 : i32
    %dma_wait3A_315 = arith.constant 0 : i32
    %dma_wait3A_316 = tpu.memref_slice %arg6[%dma_wait3A_313, %dma_wait3A_314, %dma_wait3A_315] : memref<8x128x64xf32, #tpu.memory_space<vmem>> -> memref<1x128x64xf32, #tpu.memory_space<vmem>>
    %dma_wait3A_317 = tpu.memref_squeeze %dma_wait3A_316 : memref<1x128x64xf32, #tpu.memory_space<vmem>> -> memref<128x64xf32, #tpu.memory_space<vmem>>
    %dma_wait3A_318 = arith.constant 0 : i32
    %dma_wait3A_319 = tpu.memref_slice %arg4[%add3A_110, %dma_wait3A_318] : memref<32768x64xf32, #tpu.memory_space<hbm>> -> memref<128x64xf32, #tpu.memory_space<hbm>>
    %dma_wait3A_320 = arith.constant 0 : i32
    %dma_wait3A_321 = tpu.memref_slice %arg4[%add3A_110, %dma_wait3A_320] : memref<32768x64xf32, #tpu.memory_space<hbm>> -> memref<128x64xf32, #tpu.memory_space<hbm>>
    %dma_wait3A_322 = arith.constant 0 : i32
    %dma_wait3A_323 = arith.constant 0 : i32
    %dma_wait3A_324 = tpu.memref_slice %arg6[%dma_wait3A_313, %dma_wait3A_322, %dma_wait3A_323] : memref<8x128x64xf32, #tpu.memory_space<vmem>> -> memref<1x128x64xf32, #tpu.memory_space<vmem>>
    %dma_wait3A_325 = tpu.memref_squeeze %dma_wait3A_324 : memref<1x128x64xf32, #tpu.memory_space<vmem>> -> memref<128x64xf32, #tpu.memory_space<vmem>>
    tpu.wait_dma2 semaphore(%arg15 : memref<!tpu.dma_semaphore, #tpu.memory_space<semaphore_mem>>) src(%dma_wait3A_325 : memref<128x64xf32, #tpu.memory_space<vmem>>) dst(%dma_wait3A_321 : memref<128x64xf32, #tpu.memory_space<hbm>>)
    %dma_wait3A_326 = arith.constant 1 : i32
    %dma_wait3A_327 = arith.constant 0 : i32
    %dma_wait3A_328 = arith.constant 0 : i32
    %dma_wait3A_329 = tpu.memref_slice %arg6[%dma_wait3A_326, %dma_wait3A_327, %dma_wait3A_328] : memref<8x128x64xf32, #tpu.memory_space<vmem>> -> memref<1x128x64xf32, #tpu.memory_space<vmem>>
    %dma_wait3A_330 = tpu.memref_squeeze %dma_wait3A_329 : memref<1x128x64xf32, #tpu.memory_space<vmem>> -> memref<128x64xf32, #tpu.memory_space<vmem>>
    %dma_wait3A_331 = arith.constant 0 : i32
    %dma_wait3A_332 = tpu.memref_slice %arg4[%add3A_137, %dma_wait3A_331] : memref<32768x64xf32, #tpu.memory_space<hbm>> -> memref<128x64xf32, #tpu.memory_space<hbm>>
    %dma_wait3A_333 = arith.constant 0 : i32
    %dma_wait3A_334 = tpu.memref_slice %arg4[%add3A_137, %dma_wait3A_333] : memref<32768x64xf32, #tpu.memory_space<hbm>> -> memref<128x64xf32, #tpu.memory_space<hbm>>
    %dma_wait3A_335 = arith.constant 0 : i32
    %dma_wait3A_336 = arith.constant 0 : i32
    %dma_wait3A_337 = tpu.memref_slice %arg6[%dma_wait3A_326, %dma_wait3A_335, %dma_wait3A_336] : memref<8x128x64xf32, #tpu.memory_space<vmem>> -> memref<1x128x64xf32, #tpu.memory_space<vmem>>
    %dma_wait3A_338 = tpu.memref_squeeze %dma_wait3A_337 : memref<1x128x64xf32, #tpu.memory_space<vmem>> -> memref<128x64xf32, #tpu.memory_space<vmem>>
    tpu.wait_dma2 semaphore(%arg16 : memref<!tpu.dma_semaphore, #tpu.memory_space<semaphore_mem>>) src(%dma_wait3A_338 : memref<128x64xf32, #tpu.memory_space<vmem>>) dst(%dma_wait3A_334 : memref<128x64xf32, #tpu.memory_space<hbm>>)
    %dma_wait3A_339 = arith.constant 2 : i32
    %dma_wait3A_340 = arith.constant 0 : i32
    %dma_wait3A_341 = arith.constant 0 : i32
    %dma_wait3A_342 = tpu.memref_slice %arg6[%dma_wait3A_339, %dma_wait3A_340, %dma_wait3A_341] : memref<8x128x64xf32, #tpu.memory_space<vmem>> -> memref<1x128x64xf32, #tpu.memory_space<vmem>>
    %dma_wait3A_343 = tpu.memref_squeeze %dma_wait3A_342 : memref<1x128x64xf32, #tpu.memory_space<vmem>> -> memref<128x64xf32, #tpu.memory_space<vmem>>
    %dma_wait3A_344 = arith.constant 0 : i32
    %dma_wait3A_345 = tpu.memref_slice %arg4[%add3A_164, %dma_wait3A_344] : memref<32768x64xf32, #tpu.memory_space<hbm>> -> memref<128x64xf32, #tpu.memory_space<hbm>>
    %dma_wait3A_346 = arith.constant 0 : i32
    %dma_wait3A_347 = tpu.memref_slice %arg4[%add3A_164, %dma_wait3A_346] : memref<32768x64xf32, #tpu.memory_space<hbm>> -> memref<128x64xf32, #tpu.memory_space<hbm>>
    %dma_wait3A_348 = arith.constant 0 : i32
    %dma_wait3A_349 = arith.constant 0 : i32
    %dma_wait3A_350 = tpu.memref_slice %arg6[%dma_wait3A_339, %dma_wait3A_348, %dma_wait3A_349] : memref<8x128x64xf32, #tpu.memory_space<vmem>> -> memref<1x128x64xf32, #tpu.memory_space<vmem>>
    %dma_wait3A_351 = tpu.memref_squeeze %dma_wait3A_350 : memref<1x128x64xf32, #tpu.memory_space<vmem>> -> memref<128x64xf32, #tpu.memory_space<vmem>>
    tpu.wait_dma2 semaphore(%arg17 : memref<!tpu.dma_semaphore, #tpu.memory_space<semaphore_mem>>) src(%dma_wait3A_351 : memref<128x64xf32, #tpu.memory_space<vmem>>) dst(%dma_wait3A_347 : memref<128x64xf32, #tpu.memory_space<hbm>>)
    %dma_wait3A_352 = arith.constant 3 : i32
    %dma_wait3A_353 = arith.constant 0 : i32
    %dma_wait3A_354 = arith.constant 0 : i32
    %dma_wait3A_355 = tpu.memref_slice %arg6[%dma_wait3A_352, %dma_wait3A_353, %dma_wait3A_354] : memref<8x128x64xf32, #tpu.memory_space<vmem>> -> memref<1x128x64xf32, #tpu.memory_space<vmem>>
    %dma_wait3A_356 = tpu.memref_squeeze %dma_wait3A_355 : memref<1x128x64xf32, #tpu.memory_space<vmem>> -> memref<128x64xf32, #tpu.memory_space<vmem>>
    %dma_wait3A_357 = arith.constant 0 : i32
    %dma_wait3A_358 = tpu.memref_slice %arg4[%add3A_191, %dma_wait3A_357] : memref<32768x64xf32, #tpu.memory_space<hbm>> -> memref<128x64xf32, #tpu.memory_space<hbm>>
    %dma_wait3A_359 = arith.constant 0 : i32
    %dma_wait3A_360 = tpu.memref_slice %arg4[%add3A_191, %dma_wait3A_359] : memref<32768x64xf32, #tpu.memory_space<hbm>> -> memref<128x64xf32, #tpu.memory_space<hbm>>
    %dma_wait3A_361 = arith.constant 0 : i32
    %dma_wait3A_362 = arith.constant 0 : i32
    %dma_wait3A_363 = tpu.memref_slice %arg6[%dma_wait3A_352, %dma_wait3A_361, %dma_wait3A_362] : memref<8x128x64xf32, #tpu.memory_space<vmem>> -> memref<1x128x64xf32, #tpu.memory_space<vmem>>
    %dma_wait3A_364 = tpu.memref_squeeze %dma_wait3A_363 : memref<1x128x64xf32, #tpu.memory_space<vmem>> -> memref<128x64xf32, #tpu.memory_space<vmem>>
    tpu.wait_dma2 semaphore(%arg18 : memref<!tpu.dma_semaphore, #tpu.memory_space<semaphore_mem>>) src(%dma_wait3A_364 : memref<128x64xf32, #tpu.memory_space<vmem>>) dst(%dma_wait3A_360 : memref<128x64xf32, #tpu.memory_space<hbm>>)
    %dma_wait3A_365 = arith.constant 4 : i32
    %dma_wait3A_366 = arith.constant 0 : i32
    %dma_wait3A_367 = arith.constant 0 : i32
    %dma_wait3A_368 = tpu.memref_slice %arg6[%dma_wait3A_365, %dma_wait3A_366, %dma_wait3A_367] : memref<8x128x64xf32, #tpu.memory_space<vmem>> -> memref<1x128x64xf32, #tpu.memory_space<vmem>>
    %dma_wait3A_369 = tpu.memref_squeeze %dma_wait3A_368 : memref<1x128x64xf32, #tpu.memory_space<vmem>> -> memref<128x64xf32, #tpu.memory_space<vmem>>
    %dma_wait3A_370 = arith.constant 0 : i32
    %dma_wait3A_371 = tpu.memref_slice %arg4[%add3A_218, %dma_wait3A_370] : memref<32768x64xf32, #tpu.memory_space<hbm>> -> memref<128x64xf32, #tpu.memory_space<hbm>>
    %dma_wait3A_372 = arith.constant 0 : i32
    %dma_wait3A_373 = tpu.memref_slice %arg4[%add3A_218, %dma_wait3A_372] : memref<32768x64xf32, #tpu.memory_space<hbm>> -> memref<128x64xf32, #tpu.memory_space<hbm>>
    %dma_wait3A_374 = arith.constant 0 : i32
    %dma_wait3A_375 = arith.constant 0 : i32
    %dma_wait3A_376 = tpu.memref_slice %arg6[%dma_wait3A_365, %dma_wait3A_374, %dma_wait3A_375] : memref<8x128x64xf32, #tpu.memory_space<vmem>> -> memref<1x128x64xf32, #tpu.memory_space<vmem>>
    %dma_wait3A_377 = tpu.memref_squeeze %dma_wait3A_376 : memref<1x128x64xf32, #tpu.memory_space<vmem>> -> memref<128x64xf32, #tpu.memory_space<vmem>>
    tpu.wait_dma2 semaphore(%arg19 : memref<!tpu.dma_semaphore, #tpu.memory_space<semaphore_mem>>) src(%dma_wait3A_377 : memref<128x64xf32, #tpu.memory_space<vmem>>) dst(%dma_wait3A_373 : memref<128x64xf32, #tpu.memory_space<hbm>>)
    %dma_wait3A_378 = arith.constant 5 : i32
    %dma_wait3A_379 = arith.constant 0 : i32
    %dma_wait3A_380 = arith.constant 0 : i32
    %dma_wait3A_381 = tpu.memref_slice %arg6[%dma_wait3A_378, %dma_wait3A_379, %dma_wait3A_380] : memref<8x128x64xf32, #tpu.memory_space<vmem>> -> memref<1x128x64xf32, #tpu.memory_space<vmem>>
    %dma_wait3A_382 = tpu.memref_squeeze %dma_wait3A_381 : memref<1x128x64xf32, #tpu.memory_space<vmem>> -> memref<128x64xf32, #tpu.memory_space<vmem>>
    %dma_wait3A_383 = arith.constant 0 : i32
    %dma_wait3A_384 = tpu.memref_slice %arg4[%add3A_245, %dma_wait3A_383] : memref<32768x64xf32, #tpu.memory_space<hbm>> -> memref<128x64xf32, #tpu.memory_space<hbm>>
    %dma_wait3A_385 = arith.constant 0 : i32
    %dma_wait3A_386 = tpu.memref_slice %arg4[%add3A_245, %dma_wait3A_385] : memref<32768x64xf32, #tpu.memory_space<hbm>> -> memref<128x64xf32, #tpu.memory_space<hbm>>
    %dma_wait3A_387 = arith.constant 0 : i32
    %dma_wait3A_388 = arith.constant 0 : i32
    %dma_wait3A_389 = tpu.memref_slice %arg6[%dma_wait3A_378, %dma_wait3A_387, %dma_wait3A_388] : memref<8x128x64xf32, #tpu.memory_space<vmem>> -> memref<1x128x64xf32, #tpu.memory_space<vmem>>
    %dma_wait3A_390 = tpu.memref_squeeze %dma_wait3A_389 : memref<1x128x64xf32, #tpu.memory_space<vmem>> -> memref<128x64xf32, #tpu.memory_space<vmem>>
    tpu.wait_dma2 semaphore(%arg20 : memref<!tpu.dma_semaphore, #tpu.memory_space<semaphore_mem>>) src(%dma_wait3A_390 : memref<128x64xf32, #tpu.memory_space<vmem>>) dst(%dma_wait3A_386 : memref<128x64xf32, #tpu.memory_space<hbm>>)
    %dma_wait3A_391 = arith.constant 6 : i32
    %dma_wait3A_392 = arith.constant 0 : i32
    %dma_wait3A_393 = arith.constant 0 : i32
    %dma_wait3A_394 = tpu.memref_slice %arg6[%dma_wait3A_391, %dma_wait3A_392, %dma_wait3A_393] : memref<8x128x64xf32, #tpu.memory_space<vmem>> -> memref<1x128x64xf32, #tpu.memory_space<vmem>>
    %dma_wait3A_395 = tpu.memref_squeeze %dma_wait3A_394 : memref<1x128x64xf32, #tpu.memory_space<vmem>> -> memref<128x64xf32, #tpu.memory_space<vmem>>
    %dma_wait3A_396 = arith.constant 0 : i32
    %dma_wait3A_397 = tpu.memref_slice %arg4[%add3A_272, %dma_wait3A_396] : memref<32768x64xf32, #tpu.memory_space<hbm>> -> memref<128x64xf32, #tpu.memory_space<hbm>>
    %dma_wait3A_398 = arith.constant 0 : i32
    %dma_wait3A_399 = tpu.memref_slice %arg4[%add3A_272, %dma_wait3A_398] : memref<32768x64xf32, #tpu.memory_space<hbm>> -> memref<128x64xf32, #tpu.memory_space<hbm>>
    %dma_wait3A_400 = arith.constant 0 : i32
    %dma_wait3A_401 = arith.constant 0 : i32
    %dma_wait3A_402 = tpu.memref_slice %arg6[%dma_wait3A_391, %dma_wait3A_400, %dma_wait3A_401] : memref<8x128x64xf32, #tpu.memory_space<vmem>> -> memref<1x128x64xf32, #tpu.memory_space<vmem>>
    %dma_wait3A_403 = tpu.memref_squeeze %dma_wait3A_402 : memref<1x128x64xf32, #tpu.memory_space<vmem>> -> memref<128x64xf32, #tpu.memory_space<vmem>>
    tpu.wait_dma2 semaphore(%arg21 : memref<!tpu.dma_semaphore, #tpu.memory_space<semaphore_mem>>) src(%dma_wait3A_403 : memref<128x64xf32, #tpu.memory_space<vmem>>) dst(%dma_wait3A_399 : memref<128x64xf32, #tpu.memory_space<hbm>>)
    %dma_wait3A_404 = arith.constant 7 : i32
    %dma_wait3A_405 = arith.constant 0 : i32
    %dma_wait3A_406 = arith.constant 0 : i32
    %dma_wait3A_407 = tpu.memref_slice %arg6[%dma_wait3A_404, %dma_wait3A_405, %dma_wait3A_406] : memref<8x128x64xf32, #tpu.memory_space<vmem>> -> memref<1x128x64xf32, #tpu.memory_space<vmem>>
    %dma_wait3A_408 = tpu.memref_squeeze %dma_wait3A_407 : memref<1x128x64xf32, #tpu.memory_space<vmem>> -> memref<128x64xf32, #tpu.memory_space<vmem>>
    %dma_wait3A_409 = arith.constant 0 : i32
    %dma_wait3A_410 = tpu.memref_slice %arg4[%add3A_299, %dma_wait3A_409] : memref<32768x64xf32, #tpu.memory_space<hbm>> -> memref<128x64xf32, #tpu.memory_space<hbm>>
    %dma_wait3A_411 = arith.constant 0 : i32
    %dma_wait3A_412 = tpu.memref_slice %arg4[%add3A_299, %dma_wait3A_411] : memref<32768x64xf32, #tpu.memory_space<hbm>> -> memref<128x64xf32, #tpu.memory_space<hbm>>
    %dma_wait3A_413 = arith.constant 0 : i32
    %dma_wait3A_414 = arith.constant 0 : i32
    %dma_wait3A_415 = tpu.memref_slice %arg6[%dma_wait3A_404, %dma_wait3A_413, %dma_wait3A_414] : memref<8x128x64xf32, #tpu.memory_space<vmem>> -> memref<1x128x64xf32, #tpu.memory_space<vmem>>
    %dma_wait3A_416 = tpu.memref_squeeze %dma_wait3A_415 : memref<1x128x64xf32, #tpu.memory_space<vmem>> -> memref<128x64xf32, #tpu.memory_space<vmem>>
    tpu.wait_dma2 semaphore(%arg22 : memref<!tpu.dma_semaphore, #tpu.memory_space<semaphore_mem>>) src(%dma_wait3A_416 : memref<128x64xf32, #tpu.memory_space<vmem>>) dst(%dma_wait3A_412 : memref<128x64xf32, #tpu.memory_space<hbm>>)
    return
  }
}

module attributes {stable_mosaic.version = 14 : i64} {
  func.func @_vq_tc_body(%arg0: i32, %arg1: memref<4096x64xf32, #tpu.memory_space<vmem>>, %arg2: memref<1024x64xf32, #tpu.memory_space<vmem>>, %arg3: memref<32x128xi32, #tpu.memory_space<vmem>>, %arg4: memref<32x128xf32, #tpu.memory_space<vmem>>) attributes {dimension_semantics = [#tpu.dimension_semantics<parallel>], iteration_bounds = array<i64: 8>, scalar_prefetch = 0 : i64, scratch_operands = 0 : i64, tpu.core_type = #tpu.core_type<tc>, window_params = [{transform_indices = @transform_0, window_bounds = array<i64: 4096, 64>}, {pipeline_mode = #tpu.pipeline_mode<synchronous>, transform_indices = @transform_1, window_bounds = array<i64: 1024, 64>}, {transform_indices = @transform_2, window_bounds = array<i64: 32, 128>}, {transform_indices = @transform_3, window_bounds = array<i64: 32, 128>}]} {
    %get3A = arith.constant 0 : index
    %get3A_0 = arith.constant 0 : index
    %get3A_1 = vector.load %arg2[%get3A, %get3A_0] : memref<1024x64xf32, #tpu.memory_space<vmem>>, vector<1024x64xf32>
    %mul3A = arith.mulf %get3A_1, %get3A_1 : vector<1024x64xf32>
    %reduce_sum3A = arith.constant dense<0.000000e+00> : vector<1024xf32>
    %reduce_sum3A_2 = vector.multi_reduction <add>, %mul3A, %reduce_sum3A [1] : vector<1024x64xf32> to vector<1024xf32>
    %broadcast_in_dim3A = vector.shape_cast %reduce_sum3A_2 : vector<1024xf32> to vector<1024x1xf32>
    %get3A_3 = arith.constant 0 : index
    %get3A_4 = arith.constant 0 : index
    %get3A_5 = vector.load %arg1[%get3A_3, %get3A_4] : memref<4096x64xf32, #tpu.memory_space<vmem>>, vector<4096x64xf32>
    %mul3A_6 = arith.mulf %get3A_5, %get3A_5 : vector<4096x64xf32>
    %reduce_sum3A_7 = arith.constant dense<0.000000e+00> : vector<4096xf32>
    %reduce_sum3A_8 = vector.multi_reduction <add>, %mul3A_6, %reduce_sum3A_7 [1] : vector<4096x64xf32> to vector<4096xf32>
    %broadcast_in_dim3A_9 = vector.shape_cast %reduce_sum3A_8 : vector<4096xf32> to vector<1x4096xf32>
    %mul3A_10 = arith.constant -2.000000e+00 : f32
    %mul3A_11 = vector.broadcast %mul3A_10 : f32 to vector<4096x64xf32>
    %mul3A_12 = arith.mulf %mul3A_11, %get3A_5 : vector<4096x64xf32>
    %dot_general3A = arith.constant dense<0.000000e+00> : vector<1024x4096xf32>
    %dot_general3A_13 = tpu.matmul %get3A_1, %mul3A_12, %dot_general3A {dimension_numbers = #tpu.dot_dimension_numbers<[1], [1], [0], [0], [0, 0, 1, 0], [], []>, transpose_lhs_hint = false} : vector<1024x64xf32>, vector<4096x64xf32>, vector<1024x4096xf32> -> vector<1024x4096xf32>
    %add3A = vector.broadcast %broadcast_in_dim3A : vector<1024x1xf32> to vector<1024x4096xf32>
    %add3A_14 = arith.addf %dot_general3A_13, %add3A : vector<1024x4096xf32>
    %reduce_min3A = arith.constant dense<0x7F800000> : vector<4096xf32>
    %reduce_min3A_15 = vector.multi_reduction <minimumf>, %add3A_14, %reduce_min3A [0] : vector<1024x4096xf32> to vector<4096xf32>
    %broadcast_in_dim3A_16 = vector.shape_cast %reduce_min3A_15 : vector<4096xf32> to vector<1x4096xf32>
    %iota3A = tpu.iota {dimensions = array<i32: 0>} : vector<1024x1xi32>
    %convert_element_type3A = arith.sitofp %iota3A : vector<1024x1xi32> to vector<1024x1xf32>
    %eq3A = vector.broadcast %broadcast_in_dim3A_16 : vector<1x4096xf32> to vector<1024x4096xf32>
    %eq3A_17 = arith.cmpf oeq, %add3A_14, %eq3A : vector<1024x4096xf32>
    %jit3A = arith.constant 1.024000e+03 : f32
    %broadcast_in_dim3A_18 = vector.shape_cast %convert_element_type3A : vector<1024x1xf32> to vector<1024x1xf32>
    %broadcast_in_dim3A_19 = vector.broadcast %broadcast_in_dim3A_18 : vector<1024x1xf32> to vector<1024x4096xf32>
    %broadcast_in_dim3A_20 = vector.broadcast %jit3A : f32 to vector<1024x4096xf32>
    %select_n3A = arith.select %eq3A_17, %broadcast_in_dim3A_19, %broadcast_in_dim3A_20 : vector<1024x4096xi1>, vector<1024x4096xf32>
    %reduce_min3A_21 = arith.constant dense<0x7F800000> : vector<4096xf32>
    %reduce_min3A_22 = vector.multi_reduction <minimumf>, %select_n3A, %reduce_min3A_21 [0] : vector<1024x4096xf32> to vector<4096xf32>
    %broadcast_in_dim3A_23 = vector.shape_cast %reduce_min3A_22 : vector<4096xf32> to vector<1x4096xf32>
    %convert_element_type3A_24 = arith.fptosi %broadcast_in_dim3A_23 : vector<1x4096xf32> to vector<1x4096xi32>
    %reshape3A = vector.shape_cast %convert_element_type3A_24 : vector<1x4096xi32> to vector<32x128xi32>
    %swap3A = arith.constant 0 : index
    %swap3A_25 = arith.constant 0 : index
    %swap3A_26 = vector.load %arg3[%swap3A, %swap3A_25] : memref<32x128xi32, #tpu.memory_space<vmem>>, vector<32x128xi32>
    tpu.vector_store %arg3[%swap3A, %swap3A_25], %reshape3A {strides = array<i32>} : memref<32x128xi32, #tpu.memory_space<vmem>>, vector<32x128xi32>,
    %add3A_27 = arith.addf %broadcast_in_dim3A_16, %broadcast_in_dim3A_9 : vector<1x4096xf32>
    %max3A = arith.constant 0.000000e+00 : f32
    %max3A_28 = vector.broadcast %max3A : f32 to vector<1x4096xf32>
    %max3A_29 = arith.maximumf %add3A_27, %max3A_28 : vector<1x4096xf32>
    %sqrt3A = math.sqrt %max3A_29 : vector<1x4096xf32>
    %reshape3A_30 = vector.shape_cast %sqrt3A : vector<1x4096xf32> to vector<32x128xf32>
    %swap3A_31 = arith.constant 0 : index
    %swap3A_32 = arith.constant 0 : index
    %swap3A_33 = vector.load %arg4[%swap3A_31, %swap3A_32] : memref<32x128xf32, #tpu.memory_space<vmem>>, vector<32x128xf32>
    tpu.vector_store %arg4[%swap3A_31, %swap3A_32], %reshape3A_30 {strides = array<i32>} : memref<32x128xf32, #tpu.memory_space<vmem>>, vector<32x128xf32>,
    return
  }
  func.func @transform_0(%arg0: i32) -> (i32, i32) {
    %c0_i32 = arith.constant 0 : i32
    %c0_i32_0 = arith.constant 0 : i32
    return %arg0, %c0_i32 : i32, i32
  }
  func.func @transform_1(%arg0: i32) -> (i32, i32) {
    %c0_i32 = arith.constant 0 : i32
    %c0_i32_0 = arith.constant 0 : i32
    %c0_i32_1 = arith.constant 0 : i32
    return %c0_i32, %c0_i32_0 : i32, i32
  }
  func.func @transform_2(%arg0: i32) -> (i32, i32) {
    %c0_i32 = arith.constant 0 : i32
    %c0_i32_0 = arith.constant 0 : i32
    return %arg0, %c0_i32 : i32, i32
  }
  func.func @transform_3(%arg0: i32) -> (i32, i32) {
    %c0_i32 = arith.constant 0 : i32
    %c0_i32_0 = arith.constant 0 : i32
    return %arg0, %c0_i32 : i32, i32
  }
}

</mosaic_0001>

<sc_bundles>
// kernel: kernel.4.cloned.1.call-start
scs
__scs_entry_jumppad:
0x0: {  	(pc) =	sbr.rel $0x88, $3  }
0x1: {  	(tag) =	ssettag $0x0;
	lr =	simm.s32 $0x1  }
0x2: {  	[smem:$0x3F9F] =	sst lr;
	_ =	strace $0xD0000000  }
0x3: {  	_ = 	snop  }
0x4: {  	_ = 	snop  }
0x5: {  	_ = 	snop  }
0x6: {  	_ = 	snop  }
0x7: {  	_ = 	snop  }
__scs_overlays_trampoline_lowered:
0x8: {  	[smem:$0x3FAE] =	sst s0  }
0x9: {  	[smem:$0x3FAF] =	sst s1  }
0xa: {  	[smem:$0x3FB0] =	sst s2  }
0xb: {  	[smem:$0x3FB1] =	sst s3  }
0xc: {  	[smem:$0x3FB2] =	sst s4  }
0xd: {  	[smem:$0x3FB3] =	sst s5  }
0xe: {  	[smem:$0x3FB4] =	sst s6  }
0xf: {  	[smem:$0x3FB5] =	sst s7  }
0x10: {  	[smem:$0x3FB6] =	sst s8  }
0x11: {  	[smem:$0x3FB7] =	sst s9;
	s0 =	simm.s32 @!p0 $0x0  }
0x12: {  	s1 =	sld [smem:$0x3F9D];
	s0 =	simm.s32 @p0 $0x1  }
0x13: {  	[smem:$0x3FB8] =	sst s0;
	s0 =	simm.s32 @!p1 $0x0  }
0x14: {  	s2 =	sld [smem:$0x3F9C];
	s0 =	simm.s32 @p1 $0x1  }
0x15: {  	[smem:$0x3FB9] =	sst s0;
	s0 =	simm.s32 @!p2 $0x0  }
0x16: {  	s3 =	sld [smem:$0x3FDB];
	s0 =	simm.s32 @p2 $0x1  }
0x17: {  	s4 =	simm.s32 $0x1BF5;
	[smem:$0x3FBB] =	sst s0  }
0x18: {  	s0 =	sld [smem:$0x3F9E];
	_ =	swait.ge [sflag:s4], $0x0  }
0x19: {  	s7 =	sld [smem:$0x3F9F]  }
0x1a: {  	s8 =	sadd.s32 $0xFFFFE003, lr  }
0x1b: {  	s9 =	sadd.s32 $0xFFFFFEF7, lr;
	s5 =	simm.s32 $0xFFFFFFFF;
	p2 =	slt.u32 s8, $0xFFFFF086  }
0x1c: {  	p1 =	slt.u32 s9, $0xF7A;
	s5 =	simm.s32 @!p2 $0x0  }
0x1d: {  	s5 =	simm.s32 @p1 $0x1;
	p0 =	seq.s32 s7, s2  }
0x1e: {  	s7 =	smul.u32 @!p0 $0xF7A, s2;
	p2 =	seq.s32 @!p0 s5, $0x0  }
0x1f: {  	s9 =	smul.u32 $0xF7A, s1;
	s8 =	simm.s32 @!p0 $0x1BF5;
	p2 =	por !p2, p0  }
0x20: {  	[sflag:s8] =	ssyncset.s32 @!p0 $0xFFFFF086;
	s6 =	sadd.s32 @!p0 s3, s7;
	s7 =	simm.s32 @!p0 $0x108  }
0x21: {  	s3 =	sadd.s32 s3, s9;
	s6 =	sadd.s32 @!p0 $0x88, s6;
	s7 =	simm.s32 @p2 $0x1082  }
0x22: {  	[simem:s7], [sflag:s8] =	dma.local @!p0 [hbm:s6], $0xF7A  }
0x23: {  	s9 =	sor.u32 $0xD0000000, s2;
	s6 =	simm.s32 $0x108;
	_ =	swait.ge @!p0 [sflag:s8], $0x0  }
0x24: {  	s3 =	sadd.s32 $0x88, s3;
	s6 =	simm.s32 @!p1 $0x1082;
	[sflag:s4] =	ssyncset.s32 $0xFFFFF086  }
0x25: {  	[simem:s6], [sflag:s4] =	dma.local [hbm:s3], $0xF7A  }
0x26: {  	[smem:$0x3F9F] =	sst s1;
	(tag) =	ssettag s2;
	_ =	strace s9  }
0x27: {  	s1 =	sld [smem:$0x3FAF]  }
0x28: {  	s2 =	sld [smem:$0x3FB0]  }
0x29: {  	s4 =	sld [smem:$0x3FB2]  }
0x2a: {  	p0 =	seq.s32 s5, $0x0;
	s5 =	sld [smem:$0x3FB3]  }
0x2b: {  	s6 =	sld [smem:$0x3FB4]  }
0x2c: {  	s7 =	sld [smem:$0x3FB5]  }
0x2d: {  	s3 =	simm.s32 $0x108;
	s8 =	sld [smem:$0x3FB6]  }
0x2e: {  	s3 =	simm.s32 @!p0 $0x1082;
	s9 =	sld [smem:$0x3FB7]  }
0x2f: {  	lr =	sadd.s32 s0, s3;
	s0 =	sld [smem:$0x3FAE]  }
0x30: {  	s3 =	sld [smem:$0x3FB1]  }
0x31: {  	[smem:$0x3FBA] =	sst s10  }
0x32: {  	s10 =	sld [smem:$0x3FB8];
	_ =	sdelay $0x3  }
0x33: {  	p0 =	seq.s32 s10, $0x1;
	s10 =	sld [smem:$0x3FBA];
	_ =	sdelay $0x3  }
0x34: {  	[smem:$0x3FBA] =	sst s10  }
0x35: {  	s10 =	sld [smem:$0x3FB9];
	_ =	sdelay $0x3  }
0x36: {  	p1 =	seq.s32 s10, $0x1;
	s10 =	sld [smem:$0x3FBA];
	_ =	sdelay $0x3  }
0x37: {  	[smem:$0x3FBA] =	sst s10  }
0x38: {  	s10 =	sld [smem:$0x3FBB]  }
0x39: {  	_ = 	snop;
	(pc) =	sbr.ind lr, $3  }
0x3a: {  	_ = 	snop  }
0x3b: {  	_ = 	snop  }
0x3c: {  	p2 =	seq.s32 s10, $0x1;
	s10 =	sld [smem:$0x3FBA]  }
0x3d: {  	_ =	shalt  }
0x3e: {  	_ =	shalt  }
0x3f: {  	_ =	shalt  }
0x40: {  	_ =	shalt  }
0x41: {  	_ =	shalt  }
0x42: {  	_ =	shalt  }
0x43: {  	_ =	shalt  }
0x44: {  	_ =	shalt  }
0x45: {  	_ =	shalt  }
0x46: {  	_ =	shalt  }
0x47: {  	_ =	shalt  }
0x48: {  	_ =	shalt  }
0x49: {  	_ =	shalt  }
0x4a: {  	_ =	shalt  }
0x4b: {  	_ =	shalt  }
0x4c: {  	_ =	shalt  }
0x4d: {  	_ =	shalt  }
0x4e: {  	_ =	shalt  }
0x4f: {  	_ =	shalt  }
0x50: {  	_ =	shalt  }
0x51: {  	_ =	shalt  }
0x52: {  	_ =	shalt  }
0x53: {  	_ =	shalt  }
0x54: {  	_ =	shalt  }
0x55: {  	_ =	shalt  }
0x56: {  	_ =	shalt  }
0x57: {  	_ =	shalt  }
0x58: {  	_ =	shalt  }
0x59: {  	_ =	shalt  }
0x5a: {  	_ =	shalt  }
0x5b: {  	_ =	shalt  }
0x5c: {  	_ =	shalt  }
0x5d: {  	_ =	shalt  }
0x5e: {  	_ =	shalt  }
0x5f: {  	_ =	shalt  }
0x60: {  	_ =	shalt  }
0x61: {  	_ =	shalt  }
0x62: {  	_ =	shalt  }
0x63: {  	_ =	shalt  }
0x64: {  	_ =	shalt  }
0x65: {  	_ =	shalt  }
0x66: {  	_ =	shalt  }
0x67: {  	_ =	shalt  }
0x68: {  	_ =	shalt  }
0x69: {  	_ =	shalt  }
0x6a: {  	_ =	shalt  }
0x6b: {  	_ =	shalt  }
0x6c: {  	_ =	shalt  }
0x6d: {  	_ =	shalt  }
0x6e: {  	_ =	shalt  }
0x6f: {  	_ =	shalt  }
0x70: {  	_ =	shalt  }
0x71: {  	_ =	shalt  }
0x72: {  	_ =	shalt  }
0x73: {  	_ =	shalt  }
0x74: {  	_ =	shalt  }
0x75: {  	_ =	shalt  }
0x76: {  	_ =	shalt  }
0x77: {  	_ =	shalt  }
0x78: {  	_ =	shalt  }
0x79: {  	_ =	shalt  }
0x7a: {  	_ =	shalt  }
0x7b: {  	_ =	shalt  }
0x7c: {  	_ =	shalt  }
0x7d: {  	_ =	shalt  }
0x7e: {  	_ =	shalt  }
0x7f: {  	_ =	shalt  }
0x80: {  	_ =	shalt  }
0x81: {  	_ =	shalt  }
0x82: {  	_ =	shalt  }
0x83: {  	_ =	shalt  }
0x84: {  	_ =	shalt  }
0x85: {  	_ =	shalt  }
0x86: {  	_ =	shalt  }
0x87: {  	_ =	shalt  }
.Lfunc_end0:
.L_simem_size_0:
called_computation_lowered:
.L_overlay_start_0:
0x88: {  	s2 =	sld [smem:$0x3FD9]  }
0x89: {  	s3 =	sld [smem:$0x3FFE];
	_ =	sdelay $0x1  }
0x8a: {  	s1 =	srdreg.scid  }
0x8b: {  	s0 =	sand.u32 $0x1, s1  }
0x8c: {  	s14 =	sshll.u32 s0, $0xA;
	s2 =	sadd.s32 s3, s2  }
0x8d: {  	s2 =	sadd.s32 s2, s14  }
0x8e: {  	[smem:$0x3FC6] =	sst s2  }
0x8f: {  	_ = 	snop  }
0x90: {  	s2 =	sld [smem:$0x3FD0];
	_ =	sdelay $0x2  }
0x91: {  	s15 =	simm.s32 $0xA;
	s4 =	simm.s32 $0x10  }
0x92: {  	[smem:s4], [sflag:s15] =	dma.local [hbm:s2], $0x1  }
0x93: {  	_ =	swait.eq [sflag:s15], $0x1  }
0x94: {  	[sflag:s15] =	ssyncset.done $0x0  }
0x95: {  	s16 =	sld [smem:$0x10];
	[sflag:s15] =	ssyncadd.s32 $0xFFFFFFFF  }
0x96: {  	s17 =	sld [smem:$0x12];
	(tm) =	ssettm $0x1  }
0x97: {  	s18 =	sld [smem:$0x3FFB];
	_ =	sdelay $0x3  }
0x98: {  	_ =	strace s18  }
0x99: {  	s4 =	sld [smem:$0x3FFC];
	_ =	sdelay $0x3  }
0x9a: {  	_ =	strace s4  }
0x9b: {  	s4 =	sld [smem:$0x3FFD];
	_ =	sdelay $0x3  }
0x9c: {  	_ =	strace s4  }
0x9d: {  	_ =	strace $0x8FFFFFFF  }
0x9e: {  	s19 =	sld [smem:$0x3FDB];
	_ =	sdelay $0x1  }
0x9f: {  	s5 =	simm.s32 $_scs_section_size  }
0xa0: {  	s6 =	simm.s32 $_size__tile_overlayer_lowered;
	s7 =	simm.s32 $_tile_overlayer_lowered  }
0xa1: {  	s22 =	simm.s32 $0x1BFF;
	s21 =	sshll.u32 s7, $0x1;
	s4 =	sadd.s32 s5, s19  }
0xa2: {  	s8 =	simm.s32 $0x0;
	s20 =	sshll.u32 s6, $0x1;
	s6 =	sadd.s32 s21, s4  }
0xa3: {  	[timem:s8], [sflag:s22] =	dma.local [hbm:s6], s20  }
0xa4: {  	_ =	swait.ge [sflag:s22], s20  }
0xa5: {  	s5 =	ssub.s32 $0x0, s20;
	[sflag:s22] =	ssyncset.done $0x0  }
0xa6: {  	[sflag:s22] =	ssyncadd.s32 s5;
	_ =	sdelay $0x1  }
0xa7: {  	s23 =	simm.s32 $0x1B8B  }
0xa8: {  	_ =	swait.ge [sflag:s23], $0x1  }
0xa9: {  	[sflag:s23] =	ssyncset.done $0x0  }
0xaa: {  	s25 =	simm.s32 $0x1B8E;
	s24 =	sld [smem:$0x3FFE];
	[sflag:s23] =	ssyncadd.s32 $0xFFFFFFFF  }
0xab: {  	s26 =	simm.s32 $execute0_lowered;
	[smem:$0x3FD2] =	sst s25  }
0xac: {  	s6 =	sshll.u32 s26, $0x1;
	_ =	strace $0x80000046;
	[dreg:$0x1] =	wrdreg $0xFFFFFFFF  }
0xad: {  	s28 =	simm.s32 $_size_execute0_lowered;
	s4 =	sadd.s32 s4, s6;
	[dreg:$0x0] =	wrdreg $0x0  }
0xae: {  	s6 =	sshll.u32 s28, $0x1;
	[dreg:$0x2] =	wrdreg s4  }
0xaf: {  	[dreg:$0x3] =	wrdreg s6  }
0xb0: {  	[dreg:$0x4] =	wrdreg $0xC0  }
0xb1: {  	_ =	task [dreg:s8], $0x5FFFF  }
0xb2: {  	[dreg:$0x1] =	wrdreg $0xFFFFFFFF  }
0xb3: {  	[dreg:$0x0] =	wrdreg $0x60  }
0xb4: {  	[dreg:$0x2] =	wrdreg s24  }
0xb5: {  	[dreg:$0x3] =	wrdreg s16  }
0xb6: {  	[dreg:$0x4] =	wrdreg s17  }
0xb7: {  	[dreg:$0x5] =	wrdreg $0x9  }
0xb8: {  	_ =	task.clear_ibuf [dreg:s8], $0x6FFFF;
	_ =	strace $0x90000046  }
0xb9: {  	s29 =	simm.s32 $0x9;
	_ =	strace $0x80000048  }
0xba: {  	_ =	swait.ge [sflag:s29], $0x1  }
0xbb: {  	[sflag:s29] =	ssyncadd.s32 $0xFFFFFFFF  }
0xbc: {  	_ =	strace $0x90000048  }
0xbd: {  	_ =	sfence  }
0xbe: {  	s30 =	sld [smem:$0x0];
	_ =	sdelay $0x2  }
0xbf: {  	s31 =	sshll.u32 s1, $0xD;
	s1 =	sshrl.u32 s1, $0x2  }
0xc0: {  	s3 =	sand.u32 $0x4000, s31;
	s1 =	sadd.s32 s1, s30  }
0xc1: {  	s0 =	sor.u32 s3, s0;
	s1 =	sshll.u32 s1, $0x11  }
0xc2: {  	s0 =	sor.u32 s1, s0  }
0xc3: {  	s0 =	sadd.s32 $0x8F2B, s0  }
0xc4: {  	[sflag:s0] =	ssyncadd.remote.s32 $0x1  }
0xc5: {  	_ =	sfence.sel $0xFFFF  }
0xc6: {  	[dreg:$0x0] =	wrdreg $0xFFFFFFFF;
	(pc) =	sbr.abs _section_cstart, $3  }
0xc7: {  	[dreg:$0x1] =	wrdreg $0xFFFFFFFF  }
0xc8: {  	_ =	task.clear_ibuf [dreg:s8], $0x2FFFF;
	_ =	strace $0x9FFFFFFF  }
0xc9: {  	(tm) =	ssettm $0x7FFFFFFF  }
tec
execute0_lowered:
.L_overlay_start_1:
0x0: {  	(tag) =	ssettag $0x1  }
0x1: {  	s0 =	rddreg [dreg:$0x0];
	s1 =	srdreg.scid  }
0x2: {  	s3 =	rddreg [dreg:$0x1];
	s2 =	stileid.u32  }
0x3: {  	s4 =	rddreg [dreg:$0x2];
	s29 =	simm.s32 $0x11;
	s24 =	simm.s32 $0x80  }
0x4: {  	s17 =	simm.s32 $0x100;
	s22 =	simm.s32 $0x400;
	s18 =	simm.s32 $0x180  }
0x5: {  	s21 =	simm.s32 $0x2400;
	s19 =	simm.s32 $0x200;
	s23 =	simm.s32 $0x280  }
0x6: {  	s25 =	simm.s32 $0x300;
	s15 =	simm.s32 $0x8400;
	s26 =	simm.s32 $0x380  }
0x7: {  	s14 =	simm.s32 $0xA400;
	s31 =	simm.s32 $0x1;
	s30 =	simm.s32 $0x2  }
0x8: {  	s28 =	simm.s32 $0x3;
	s5 =	sshll.u32 s2, $0xB;
	s2 =	simm.s32 $0x0  }
0x9: {  	s16 =	simm.s32 $0x8;
	s13 =	simm.s32 $0x9;
	[smem:$0x7FF] =	sst s2  }
0xa: {  	p0 =	por $0x0, $0x0;
	_ =	strace $0x80000047;
	[dreg:$0xc] =	wrdreg s17  }
0xb: {  	s1 =	sand.u32 $0x1, s1;
	s20 =	sadd.s32 $0x600, s0;
	[dreg:$0xd] =	wrdreg s18  }
0xc: {  	s6 =	sshll.u32 s1, $0xA;
	s1 =	ssub.s32 $0x2, s1;
	[dreg:$0xe] =	wrdreg s19  }
0xd: {  	s5 =	sor.u32 s6, s5;
	s9 =	sshrl.u32 s1, $0x1;
	[dreg:$0xf] =	wrdreg s23  }
0xe: {  	s18 =	simm.s32 $0x4400;
	s17 =	simm.s32 $0x6400;
	[dreg:$0x10] =	wrdreg s25  }
0xf: {  	[dreg:$0x11] =	wrdreg s26;
	s26 =	simm.s32 $0x4;
	s25 =	simm.s32 $0x5  }
0x10: {  	s23 =	simm.s32 $0x6;
	s6 =	sshrl.u32 s5, $0x3;
	s5 =	sshll.u32 s5, $0x3  }
0x11: {  	s19 =	simm.s32 $0x7;
	s6 =	sadd.s32 s3, s6;
	s3 =	sadd.s32 s4, s5  }
0x12: {  	s1 =	ssub.s32 s1, s9;
	[dreg:$0x4] =	wrdreg s6;
	s4 =	sadd.s32 $0x400, s3  }
0x13: {  	s9 =	simm.s32 $0xC400;
	s5 =	sadd.s32 $0x800, s3;
	[dreg:$0x5] =	wrdreg s4  }
0x14: {  	s12 =	smax.u32 s1, $0x1;
	s6 =	sadd.s32 $0xC00, s3;
	[dreg:$0x6] =	wrdreg s5  }
0x15: {  	s7 =	sadd.s32 $0x1000, s3;
	s8 =	sadd.s32 $0x1400, s3;
	[dreg:$0x7] =	wrdreg s6  }
0x16: {  	s10 =	sadd.s32 $0x1800, s3;
	p1 =	sne.s32 s12, $0x1;
	[dreg:$0x8] =	wrdreg s7  }
.Ltmp0:
0x17: {  	s11 =	sadd.s32 $0x1C00, s3;
	[dreg:$0x9] =	wrdreg s8;
	(pc) =	sbr.rel @!p1 .LBB2_3-.Ltmp0, $4  }
0x18: {  	s1 =	sadd.s32 $0xFFFFFFFF, s12;
	s12 =	simm.s32 $0xB;
	[dreg:$0xa] =	wrdreg s10  }
0x19: {  	[dreg:$0xb] =	wrdreg s11;
	s7 =	simm.s32 $0xE400;
	s11 =	simm.s32 $0xA  }
0x1a: {  	s10 =	simm.s32 $0xC;
	s8 =	simm.s32 $0xD;
	s6 =	simm.s32 $0xE  }
0x1b: {  	s5 =	simm.s32 $0xF;
	s4 =	simm.s32 $0x10;
	s0 =	rddreg [dreg:$0x4]  }
0x1c: {  	[tilespmem:s2], [sflag:$0x11] =	stream.linear.gather [hbm4b:s0+s2], $0x400, $0x38;
	[tilespmem:$0x10400] =	vst v63  }
0x1d: {  	_ =	swait.ge [sflag:s29], $0x400  }
0x1e: {  	[sflag:s29] =	ssyncset.done $0x0  }
0x1f: {  	[sflag:s29] =	ssyncadd.s32 $0xFFFFFC00  }
0x20: {  	[tilespmem:s22], [sflag:$0x1] =	stream.indirect.gather [hbm4b:s20+s24], $0x40, s2, s24, $0xb8;
	[tilespmem:$0x10400] =	vst v63  }
0x21: {  	[dreg:$0x12] =	wrdreg s1  }
0x22: {  	[tilespmem:s21], [sflag:$0x2] =	stream.indirect.gather [hbm4b:s20+s24], $0x40, s24, s24, $0xb8;
	[tilespmem:$0x10400] =	vst v63  }
0x23: {  	s0 =	rddreg [dreg:$0xc]  }
0x24: {  	[tilespmem:s18], [sflag:$0x3] =	stream.indirect.gather [hbm4b:s20+s24], $0x40, s0, s24, $0xb8;
	[tilespmem:$0x10400] =	vst v63  }
0x25: {  	s1 =	rddreg [dreg:$0xd]  }
0x26: {  	[tilespmem:s17], [sflag:$0x4] =	stream.indirect.gather [hbm4b:s20+s24], $0x40, s1, s24, $0xb8;
	[tilespmem:$0x10400] =	vst v63  }
0x27: {  	s0 =	rddreg [dreg:$0xe]  }
0x28: {  	[tilespmem:s15], [sflag:$0x5] =	stream.indirect.gather [hbm4b:s20+s24], $0x40, s0, s24, $0xb8;
	[tilespmem:$0x10400] =	vst v63  }
0x29: {  	s1 =	rddreg [dreg:$0xf]  }
0x2a: {  	[tilespmem:s14], [sflag:$0x6] =	stream.indirect.gather [hbm4b:s20+s24], $0x40, s1, s24, $0xb8;
	[tilespmem:$0x10400] =	vst v63  }
0x2b: {  	s0 =	rddreg [dreg:$0x10]  }
0x2c: {  	[tilespmem:s9], [sflag:$0x7] =	stream.indirect.gather [hbm4b:s20+s24], $0x40, s0, s24, $0xb8;
	[tilespmem:$0x10400] =	vst v63  }
0x2d: {  	s1 =	rddreg [dreg:$0x11]  }
0x2e: {  	[tilespmem:s7], [sflag:$0x8] =	stream.indirect.gather [hbm4b:s20+s24], $0x40, s1, s24, $0xb8;
	[tilespmem:$0x10400] =	vst v63  }
0x2f: {  	_ =	swait.ge [sflag:s31], $0x2000  }
0x30: {  	[sflag:s31] =	ssyncset.done $0x0  }
0x31: {  	[sflag:s31] =	ssyncadd.s32 $0xFFFFE000  }
0x32: {  	[hbm4b:s3+s2] =	stream.linear.scatter [tilespmem:s22], [sflag:$0x9], $0x2000, $0x38;
	[tilespmem:$0x10400] =	vst v63  }
0x33: {  	_ =	swait.ge [sflag:s30], $0x2000  }
0x34: {  	[sflag:s30] =	ssyncset.done $0x0  }
0x35: {  	s1 =	rddreg [dreg:$0x5];
	[sflag:s30] =	ssyncadd.s32 $0xFFFFE000  }
0x36: {  	[hbm4b:s1+s2] =	stream.linear.scatter [tilespmem:s21], [sflag:$0xA], $0x2000, $0x38;
	[tilespmem:$0x10400] =	vst v63  }
0x37: {  	_ =	swait.ge [sflag:s28], $0x2000  }
0x38: {  	[sflag:s28] =	ssyncset.done $0x0  }
0x39: {  	s1 =	rddreg [dreg:$0x6];
	[sflag:s28] =	ssyncadd.s32 $0xFFFFE000  }
0x3a: {  	[hbm4b:s1+s2] =	stream.linear.scatter [tilespmem:s18], [sflag:$0xB], $0x2000, $0x38;
	[tilespmem:$0x10400] =	vst v63  }
0x3b: {  	_ =	swait.ge [sflag:s26], $0x2000  }
0x3c: {  	[sflag:s26] =	ssyncset.done $0x0  }
0x3d: {  	s1 =	rddreg [dreg:$0x7];
	[sflag:s26] =	ssyncadd.s32 $0xFFFFE000  }
0x3e: {  	[hbm4b:s1+s2] =	stream.linear.scatter [tilespmem:s17], [sflag:$0xC], $0x2000, $0x38;
	[tilespmem:$0x10400] =	vst v63  }
0x3f: {  	_ =	swait.ge [sflag:s25], $0x2000  }
0x40: {  	[sflag:s25] =	ssyncset.done $0x0  }
0x41: {  	s1 =	rddreg [dreg:$0x8];
	[sflag:s25] =	ssyncadd.s32 $0xFFFFE000  }
0x42: {  	[hbm4b:s1+s2] =	stream.linear.scatter [tilespmem:s15], [sflag:$0xD], $0x2000, $0x38;
	[tilespmem:$0x10400] =	vst v63  }
0x43: {  	_ =	swait.ge [sflag:s23], $0x2000  }
0x44: {  	[sflag:s23] =	ssyncset.done $0x0  }
0x45: {  	s1 =	rddreg [dreg:$0x9];
	[sflag:s23] =	ssyncadd.s32 $0xFFFFE000  }
0x46: {  	[hbm4b:s1+s2] =	stream.linear.scatter [tilespmem:s14], [sflag:$0xE], $0x2000, $0x38;
	[tilespmem:$0x10400] =	vst v63  }
0x47: {  	_ =	swait.ge [sflag:s19], $0x2000  }
0x48: {  	[sflag:s19] =	ssyncset.done $0x0  }
0x49: {  	s1 =	rddreg [dreg:$0xa];
	[sflag:s19] =	ssyncadd.s32 $0xFFFFE000  }
0x4a: {  	[hbm4b:s1+s2] =	stream.linear.scatter [tilespmem:s9], [sflag:$0xF], $0x2000, $0x38;
	[tilespmem:$0x10400] =	vst v63  }
0x4b: {  	_ =	swait.ge [sflag:s16], $0x2000  }
0x4c: {  	[sflag:s16] =	ssyncset.done $0x0  }
0x4d: {  	s1 =	rddreg [dreg:$0xb];
	[sflag:s16] =	ssyncadd.s32 $0xFFFFE000  }
0x4e: {  	[hbm4b:s1+s2] =	stream.linear.scatter [tilespmem:s7], [sflag:$0x10], $0x2000, $0x38;
	[tilespmem:$0x10400] =	vst v63  }
0x4f: {  	_ =	swait.ge [sflag:s13], $0x2000  }
0x50: {  	[sflag:s13] =	ssyncset.done $0x0  }
0x51: {  	[sflag:s13] =	ssyncadd.s32 $0xFFFFE000  }
0x52: {  	_ =	swait.ge [sflag:s11], $0x2000  }
0x53: {  	[sflag:s11] =	ssyncset.done $0x0  }
0x54: {  	[sflag:s11] =	ssyncadd.s32 $0xFFFFE000  }
0x55: {  	_ =	swait.ge [sflag:s12], $0x2000  }
0x56: {  	[sflag:s12] =	ssyncset.done $0x0  }
0x57: {  	[sflag:s12] =	ssyncadd.s32 $0xFFFFE000  }
0x58: {  	_ =	swait.ge [sflag:s10], $0x2000  }
0x59: {  	[sflag:s10] =	ssyncset.done $0x0  }
0x5a: {  	[sflag:s10] =	ssyncadd.s32 $0xFFFFE000  }
0x5b: {  	_ =	swait.ge [sflag:s8], $0x2000  }
0x5c: {  	[sflag:s8] =	ssyncset.done $0x0  }
0x5d: {  	[sflag:s8] =	ssyncadd.s32 $0xFFFFE000  }
0x5e: {  	_ =	swait.ge [sflag:s6], $0x2000  }
0x5f: {  	[sflag:s6] =	ssyncset.done $0x0  }
0x60: {  	[sflag:s6] =	ssyncadd.s32 $0xFFFFE000  }
0x61: {  	_ =	swait.ge [sflag:s5], $0x2000  }
0x62: {  	s1 =	rddreg [dreg:$0x12]  }
0x63: {  	p1 =	sne.s32 s1, $0x1  }
.Ltmp1:
0x64: {  	_ = 	snop;
	(pc) =	sbr.rel @!p1 .LBB2_3-.Ltmp1, $4  }
0x65: {  	[sflag:s5] =	ssyncset.done $0x0  }
0x66: {  	[sflag:s5] =	ssyncadd.s32 $0xFFFFE000  }
0x67: {  	p0 =	por $0x1, $0x1;
	_ =	swait.ge [sflag:s4], $0x2000  }
0x68: {  	s1 =	sadd.s32 $0xFFFFFFFF, s1;
	s0 =	rddreg [dreg:$0x4];
	[sflag:s4] =	ssyncset.done $0x0  }
.LBB2_2:
0x69: {  	[sflag:s4] =	ssyncadd.s32 $0xFFFFE000  }
0x6a: {  	[tilespmem:s2], [sflag:$0x11] =	stream.linear.gather [hbm4b:s0+s2], $0x400, $0x38;
	[tilespmem:$0x10400] =	vst v63  }
0x6b: {  	_ =	swait.ge [sflag:s29], $0x400  }
0x6c: {  	[sflag:s29] =	ssyncset.done $0x0  }
0x6d: {  	[sflag:s29] =	ssyncadd.s32 $0xFFFFFC00  }
0x6e: {  	[tilespmem:s22], [sflag:$0x1] =	stream.indirect.gather [hbm4b:s20+s24], $0x40, s2, s24, $0xb8;
	[tilespmem:$0x10400] =	vst v63  }
0x6f: {  	_ = 	snop  }
0x70: {  	[tilespmem:s21], [sflag:$0x2] =	stream.indirect.gather [hbm4b:s20+s24], $0x40, s24, s24, $0xb8;
	[tilespmem:$0x10400] =	vst v63  }
0x71: {  	s0 =	rddreg [dreg:$0xc];
	s21 =	simm.s32 $0x4400  }
0x72: {  	[tilespmem:s21], [sflag:$0x3] =	stream.indirect.gather [hbm4b:s20+s24], $0x40, s0, s24, $0xb8;
	[tilespmem:$0x10400] =	vst v63  }
0x73: {  	s18 =	simm.s32 $0x6400;
	s7 =	smov.u32 s3;
	s3 =	rddreg [dreg:$0xd]  }
0x74: {  	[tilespmem:s18], [sflag:$0x4] =	stream.indirect.gather [hbm4b:s20+s24], $0x40, s3, s24, $0xb8;
	[tilespmem:$0x10400] =	vst v63  }
0x75: {  	s17 =	simm.s32 $0x8400;
	s0 =	rddreg [dreg:$0xe]  }
0x76: {  	[tilespmem:s17], [sflag:$0x5] =	stream.indirect.gather [hbm4b:s20+s24], $0x40, s0, s24, $0xb8;
	[tilespmem:$0x10400] =	vst v63  }
0x77: {  	s15 =	simm.s32 $0xA400;
	s3 =	rddreg [dreg:$0xf]  }
0x78: {  	[tilespmem:s15], [sflag:$0x6] =	stream.indirect.gather [hbm4b:s20+s24], $0x40, s3, s24, $0xb8;
	[tilespmem:$0x10400] =	vst v63  }
0x79: {  	s14 =	simm.s32 $0xC400;
	s0 =	rddreg [dreg:$0x10]  }
0x7a: {  	[tilespmem:s14], [sflag:$0x7] =	stream.indirect.gather [hbm4b:s20+s24], $0x40, s0, s24, $0xb8;
	[tilespmem:$0x10400] =	vst v63  }
0x7b: {  	s9 =	simm.s32 $0xE400;
	s3 =	rddreg [dreg:$0x11]  }
0x7c: {  	[tilespmem:s9], [sflag:$0x8] =	stream.indirect.gather [hbm4b:s20+s24], $0x40, s3, s24, $0xb8;
	[tilespmem:$0x10400] =	vst v63  }
0x7d: {  	_ =	swait.ge [sflag:s31], $0x2000  }
0x7e: {  	[sflag:s31] =	ssyncset.done $0x0  }
0x7f: {  	s3 =	smov.u32 s7;
	[sflag:s31] =	ssyncadd.s32 $0xFFFFE000  }
0x80: {  	[hbm4b:s3+s2] =	stream.linear.scatter [tilespmem:s22], [sflag:$0x9], $0x2000, $0x38;
	[tilespmem:$0x10400] =	vst v63  }
0x81: {  	_ =	swait.ge [sflag:s30], $0x2000  }
0x82: {  	[sflag:s30] =	ssyncset.done $0x0  }
0x83: {  	s21 =	simm.s32 $0x2400;
	s0 =	rddreg [dreg:$0x5];
	[sflag:s30] =	ssyncadd.s32 $0xFFFFE000  }
0x84: {  	[hbm4b:s0+s2] =	stream.linear.scatter [tilespmem:s21], [sflag:$0xA], $0x2000, $0x38;
	[tilespmem:$0x10400] =	vst v63  }
0x85: {  	_ =	swait.ge [sflag:s28], $0x2000  }
0x86: {  	[sflag:s28] =	ssyncset.done $0x0  }
0x87: {  	s18 =	simm.s32 $0x4400;
	s0 =	rddreg [dreg:$0x6];
	[sflag:s28] =	ssyncadd.s32 $0xFFFFE000  }
0x88: {  	[hbm4b:s0+s2] =	stream.linear.scatter [tilespmem:s18], [sflag:$0xB], $0x2000, $0x38;
	[tilespmem:$0x10400] =	vst v63  }
0x89: {  	_ =	swait.ge [sflag:s26], $0x2000  }
0x8a: {  	[sflag:s26] =	ssyncset.done $0x0  }
0x8b: {  	s17 =	simm.s32 $0x6400;
	s0 =	rddreg [dreg:$0x7];
	[sflag:s26] =	ssyncadd.s32 $0xFFFFE000  }
0x8c: {  	[hbm4b:s0+s2] =	stream.linear.scatter [tilespmem:s17], [sflag:$0xC], $0x2000, $0x38;
	[tilespmem:$0x10400] =	vst v63  }
0x8d: {  	_ =	swait.ge [sflag:s25], $0x2000  }
0x8e: {  	[sflag:s25] =	ssyncset.done $0x0  }
0x8f: {  	s15 =	simm.s32 $0x8400;
	s0 =	rddreg [dreg:$0x8];
	[sflag:s25] =	ssyncadd.s32 $0xFFFFE000  }
0x90: {  	[hbm4b:s0+s2] =	stream.linear.scatter [tilespmem:s15], [sflag:$0xD], $0x2000, $0x38;
	[tilespmem:$0x10400] =	vst v63  }
0x91: {  	_ =	swait.ge [sflag:s23], $0x2000  }
0x92: {  	[sflag:s23] =	ssyncset.done $0x0  }
0x93: {  	s14 =	simm.s32 $0xA400;
	s0 =	rddreg [dreg:$0x9];
	[sflag:s23] =	ssyncadd.s32 $0xFFFFE000  }
0x94: {  	[hbm4b:s0+s2] =	stream.linear.scatter [tilespmem:s14], [sflag:$0xE], $0x2000, $0x38;
	[tilespmem:$0x10400] =	vst v63  }
0x95: {  	_ =	swait.ge [sflag:s19], $0x2000  }
0x96: {  	[sflag:s19] =	ssyncset.done $0x0  }
0x97: {  	s9 =	simm.s32 $0xC400;
	s0 =	rddreg [dreg:$0xa];
	[sflag:s19] =	ssyncadd.s32 $0xFFFFE000  }
0x98: {  	[hbm4b:s0+s2] =	stream.linear.scatter [tilespmem:s9], [sflag:$0xF], $0x2000, $0x38;
	[tilespmem:$0x10400] =	vst v63  }
0x99: {  	_ =	swait.ge [sflag:s16], $0x2000  }
0x9a: {  	[sflag:s16] =	ssyncset.done $0x0  }
0x9b: {  	s7 =	simm.s32 $0xE400;
	s0 =	rddreg [dreg:$0xb];
	[sflag:s16] =	ssyncadd.s32 $0xFFFFE000  }
0x9c: {  	[hbm4b:s0+s2] =	stream.linear.scatter [tilespmem:s7], [sflag:$0x10], $0x2000, $0x38;
	[tilespmem:$0x10400] =	vst v63  }
0x9d: {  	_ =	swait.ge [sflag:s13], $0x2000  }
0x9e: {  	[sflag:s13] =	ssyncset.done $0x0  }
0x9f: {  	[sflag:s13] =	ssyncadd.s32 $0xFFFFE000  }
0xa0: {  	_ =	swait.ge [sflag:s11], $0x2000  }
0xa1: {  	[sflag:s11] =	ssyncset.done $0x0  }
0xa2: {  	[sflag:s11] =	ssyncadd.s32 $0xFFFFE000  }
0xa3: {  	_ =	swait.ge [sflag:s12], $0x2000  }
0xa4: {  	[sflag:s12] =	ssyncset.done $0x0  }
0xa5: {  	[sflag:s12] =	ssyncadd.s32 $0xFFFFE000  }
0xa6: {  	_ =	swait.ge [sflag:s10], $0x2000  }
0xa7: {  	[sflag:s10] =	ssyncset.done $0x0  }
0xa8: {  	[sflag:s10] =	ssyncadd.s32 $0xFFFFE000  }
0xa9: {  	_ =	swait.ge [sflag:s8], $0x2000  }
0xaa: {  	[sflag:s8] =	ssyncset.done $0x0  }
0xab: {  	[sflag:s8] =	ssyncadd.s32 $0xFFFFE000  }
0xac: {  	_ =	swait.ge [sflag:s6], $0x2000  }
0xad: {  	[sflag:s6] =	ssyncset.done $0x0  }
0xae: {  	p1 =	sne.s32 s1, $0x1;
	[sflag:s6] =	ssyncadd.s32 $0xFFFFE000  }
.Ltmp2:
0xaf: {  	_ =	swait.ge [sflag:s5], $0x2000;
	(pc) =	sbr.rel @p1 .LBB2_2-.Ltmp2, $4  }
0xb0: {  	[sflag:s5] =	ssyncset.done $0x0  }
0xb1: {  	[sflag:s5] =	ssyncadd.s32 $0xFFFFE000  }
0xb2: {  	_ =	swait.ge [sflag:s4], $0x2000  }
0xb3: {  	s1 =	sadd.s32 $0xFFFFFFFF, s1;
	s0 =	rddreg [dreg:$0x4];
	[sflag:s4] =	ssyncset.done $0x0  }
.LBB2_3:
0xb4: {  	[sflag:s4] =	ssyncadd.s32 @p0 $0xFFFFE000  }
0xb5: {  	[tilespmem:s2], [sflag:$0x11] =	stream.linear.gather [hbm4b:s0+s2], $0x400, $0x38;
	[tilespmem:$0x10400] =	vst v63  }
0xb6: {  	_ =	swait.ge [sflag:s29], $0x400  }
0xb7: {  	[sflag:s29] =	ssyncset.done $0x0  }
0xb8: {  	[sflag:s29] =	ssyncadd.s32 $0xFFFFFC00  }
0xb9: {  	[tilespmem:s22], [sflag:$0x1] =	stream.indirect.gather [hbm4b:s20+s24], $0x40, s2, s24, $0xb8;
	[tilespmem:$0x10400] =	vst v63  }
0xba: {  	_ = 	snop  }
0xbb: {  	[tilespmem:s21], [sflag:$0x2] =	stream.indirect.gather [hbm4b:s20+s24], $0x40, s24, s24, $0xb8;
	[tilespmem:$0x10400] =	vst v63  }
0xbc: {  	s29 =	rddreg [dreg:$0xc]  }
0xbd: {  	[tilespmem:s18], [sflag:$0x3] =	stream.indirect.gather [hbm4b:s20+s24], $0x40, s29, s24, $0xb8;
	[tilespmem:$0x10400] =	vst v63  }
0xbe: {  	s1 =	rddreg [dreg:$0xd]  }
0xbf: {  	[tilespmem:s17], [sflag:$0x4] =	stream.indirect.gather [hbm4b:s20+s24], $0x40, s1, s24, $0xb8;
	[tilespmem:$0x10400] =	vst v63  }
0xc0: {  	s0 =	rddreg [dreg:$0xe]  }
0xc1: {  	[tilespmem:s15], [sflag:$0x5] =	stream.indirect.gather [hbm4b:s20+s24], $0x40, s0, s24, $0xb8;
	[tilespmem:$0x10400] =	vst v63  }
0xc2: {  	s29 =	rddreg [dreg:$0xf]  }
0xc3: {  	[tilespmem:s14], [sflag:$0x6] =	stream.indirect.gather [hbm4b:s20+s24], $0x40, s29, s24, $0xb8;
	[tilespmem:$0x10400] =	vst v63  }
0xc4: {  	s0 =	rddreg [dreg:$0x10]  }
0xc5: {  	[tilespmem:s9], [sflag:$0x7] =	stream.indirect.gather [hbm4b:s20+s24], $0x40, s0, s24, $0xb8;
	[tilespmem:$0x10400] =	vst v63  }
0xc6: {  	s29 =	rddreg [dreg:$0x11]  }
0xc7: {  	[tilespmem:s7], [sflag:$0x8] =	stream.indirect.gather [hbm4b:s20+s24], $0x40, s29, s24, $0xb8;
	[tilespmem:$0x10400] =	vst v63  }
0xc8: {  	_ =	swait.ge [sflag:s31], $0x2000  }
0xc9: {  	[sflag:s31] =	ssyncset.done $0x0  }
0xca: {  	[sflag:s31] =	ssyncadd.s32 $0xFFFFE000  }
0xcb: {  	[hbm4b:s3+s2] =	stream.linear.scatter [tilespmem:s22], [sflag:$0x9], $0x2000, $0x38;
	[tilespmem:$0x10400] =	vst v63  }
0xcc: {  	_ =	swait.ge [sflag:s30], $0x2000  }
0xcd: {  	[sflag:s30] =	ssyncset.done $0x0  }
0xce: {  	s20 =	rddreg [dreg:$0x5];
	[sflag:s30] =	ssyncadd.s32 $0xFFFFE000  }
0xcf: {  	[hbm4b:s20+s2] =	stream.linear.scatter [tilespmem:s21], [sflag:$0xA], $0x2000, $0x38;
	[tilespmem:$0x10400] =	vst v63  }
0xd0: {  	_ =	swait.ge [sflag:s28], $0x2000  }
0xd1: {  	[sflag:s28] =	ssyncset.done $0x0  }
0xd2: {  	s22 =	rddreg [dreg:$0x6];
	[sflag:s28] =	ssyncadd.s32 $0xFFFFE000  }
0xd3: {  	[hbm4b:s22+s2] =	stream.linear.scatter [tilespmem:s18], [sflag:$0xB], $0x2000, $0x38;
	[tilespmem:$0x10400] =	vst v63  }
0xd4: {  	_ =	swait.ge [sflag:s26], $0x2000  }
0xd5: {  	[sflag:s26] =	ssyncset.done $0x0  }
0xd6: {  	s24 =	rddreg [dreg:$0x7];
	[sflag:s26] =	ssyncadd.s32 $0xFFFFE000  }
0xd7: {  	[hbm4b:s24+s2] =	stream.linear.scatter [tilespmem:s17], [sflag:$0xC], $0x2000, $0x38;
	[tilespmem:$0x10400] =	vst v63  }
0xd8: {  	_ =	swait.ge [sflag:s25], $0x2000  }
0xd9: {  	[sflag:s25] =	ssyncset.done $0x0  }
0xda: {  	s26 =	rddreg [dreg:$0x8];
	[sflag:s25] =	ssyncadd.s32 $0xFFFFE000  }
0xdb: {  	[hbm4b:s26+s2] =	stream.linear.scatter [tilespmem:s15], [sflag:$0xD], $0x2000, $0x38;
	[tilespmem:$0x10400] =	vst v63  }
0xdc: {  	_ =	swait.ge [sflag:s23], $0x2000  }
0xdd: {  	[sflag:s23] =	ssyncset.done $0x0  }
0xde: {  	s28 =	rddreg [dreg:$0x9];
	[sflag:s23] =	ssyncadd.s32 $0xFFFFE000  }
0xdf: {  	[hbm4b:s28+s2] =	stream.linear.scatter [tilespmem:s14], [sflag:$0xE], $0x2000, $0x38;
	[tilespmem:$0x10400] =	vst v63  }
0xe0: {  	_ =	swait.ge [sflag:s19], $0x2000  }
0xe1: {  	[sflag:s19] =	ssyncset.done $0x0  }
0xe2: {  	s29 =	rddreg [dreg:$0xa];
	[sflag:s19] =	ssyncadd.s32 $0xFFFFE000  }
0xe3: {  	[hbm4b:s29+s2] =	stream.linear.scatter [tilespmem:s9], [sflag:$0xF], $0x2000, $0x38;
	[tilespmem:$0x10400] =	vst v63  }
0xe4: {  	_ =	swait.ge [sflag:s16], $0x2000  }
0xe5: {  	[sflag:s16] =	ssyncset.done $0x0  }
0xe6: {  	s30 =	rddreg [dreg:$0xb];
	[sflag:s16] =	ssyncadd.s32 $0xFFFFE000  }
0xe7: {  	[hbm4b:s30+s2] =	stream.linear.scatter [tilespmem:s7], [sflag:$0x10], $0x2000, $0x38;
	[tilespmem:$0x10400] =	vst v63  }
0xe8: {  	_ =	swait.ge [sflag:s13], $0x2000  }
0xe9: {  	[sflag:s13] =	ssyncset.done $0x0  }
0xea: {  	[sflag:s13] =	ssyncadd.s32 $0xFFFFE000  }
0xeb: {  	_ =	swait.ge [sflag:s11], $0x2000  }
0xec: {  	[sflag:s11] =	ssyncset.done $0x0  }
0xed: {  	[sflag:s11] =	ssyncadd.s32 $0xFFFFE000  }
0xee: {  	_ =	swait.ge [sflag:s12], $0x2000  }
0xef: {  	[sflag:s12] =	ssyncset.done $0x0  }
0xf0: {  	[sflag:s12] =	ssyncadd.s32 $0xFFFFE000  }
0xf1: {  	_ =	swait.ge [sflag:s10], $0x2000  }
0xf2: {  	[sflag:s10] =	ssyncset.done $0x0  }
0xf3: {  	[sflag:s10] =	ssyncadd.s32 $0xFFFFE000  }
0xf4: {  	_ =	swait.ge [sflag:s8], $0x2000  }
0xf5: {  	[sflag:s8] =	ssyncset.done $0x0  }
0xf6: {  	[sflag:s8] =	ssyncadd.s32 $0xFFFFE000  }
0xf7: {  	_ =	swait.ge [sflag:s6], $0x2000  }
0xf8: {  	[sflag:s6] =	ssyncset.done $0x0  }
0xf9: {  	[sflag:s6] =	ssyncadd.s32 $0xFFFFE000  }
0xfa: {  	_ =	swait.ge [sflag:s5], $0x2000  }
0xfb: {  	[sflag:s5] =	ssyncset.done $0x0  }
0xfc: {  	[sflag:s5] =	ssyncadd.s32 $0xFFFFE000  }
0xfd: {  	_ =	swait.ge [sflag:s4], $0x2000  }
0xfe: {  	[sflag:s4] =	ssyncset.done $0x0  }
0xff: {  	[sflag:s4] =	ssyncadd.s32 $0xFFFFE000  }
0x100: {  	_ =	sfence.sel $0x180000  }
0x101: {  	[bflag:$0x0] =	sbarrier.arrive $0xFFFF  }
0x102: {  	_ =	strace $0x90000047  }
0x103: {  	s31 =	stileid.u32;
	[bflag:$0x2] =	sbarrier.arrive $0xFFFF  }
0x104: {  	p0 =	sne.s32 s31, $0x0;
	s0 =	rddreg [dreg:$0x3]  }
0x105: {  	s0 =	sadd.s32 @!p0 $0x100000, s0  }
0x106: {  	[sflag:s0] =	ssyncadd.tile.s32 @!p0 $0x1;
	_ =	shalt  }
.Lfunc_end2:
_tile_overlayer_lowered:
.L_overlay_start_2:
0x107: {  	(tag) =	ssettag $0x2  }
0x108: {  	s0 =	rddreg [dreg:$0x0];
	s2 =	stileid.u32  }
0x109: {  	s1 =	rddreg [dreg:$0x1];
	p0 =	sne.s32 s2, $0x0  }
0x10a: {  	s3 =	rddreg [dreg:$0x2];
	[bflag:$0x3] =	sbarrier.arrive $0xFFFF;
	s2 =	simm.s32 @!p0 $0x1C11  }
0x10b: {  	[timem:s3], [sflag:s2] =	dma.local @!p0 [hbm:s0], s1  }
0x10c: {  	s0 =	simm.s32 @!p0 $0x11  }
0x10d: {  	_ =	swait.ge @!p0 [sflag:s0], s1  }
0x10e: {  	s1 =	ssub.s32 @!p0 $0x0, s1;
	[sflag:s0] =	ssyncset.done @!p0 $0x0  }
0x10f: {  	[sflag:s0] =	ssyncadd.s32 @!p0 s1  }
0x110: {  	[bflag:$0x3] =	sbarrier.arrive $0xFFFF  }
0x111: {  	_ =	shalt  }

</sc_bundles>
